<compile_context>
chip_gen: v7x
topology: tpu7x:2x2x1
jax: 0.10.2.dev20260603
libtpu: 0.0.44.dev20260713+nightly
codegen_flags: <defaults>
</compile_context>

<pallas_src>
import functools

import jax
import jax.numpy as jnp
import numpy as np
from jax.experimental import pallas as pl
from jax.experimental.pallas import tpu as pltpu

E = 100
HX = 128
HD = 64
NHX = 6
NHD = 4
B = 4096
DIMX = 3 * NHX * 2
DIMD = 3 * NHD * 2

TE = 128
NTILES = B // TE + E
NEX = 4
NG = NTILES // NEX
NS = NTILES * TE

_OFF = [0, 40, 168, 296, 424, 552, 720, 848]
_DIN = [DIMX, HX, HX, HX, HX, HX + DIMX, HX, HX]
_OFF_INT = 976
_R1 = 1104
_R2 = 152 + 64 + 128


def _mlp_chains(chains):
    exs = [emb[:, 0:DIMX] for emb, _, _, _ in chains]
    eds = [emb[:, DIMX:DIMX + DIMD] for emb, _, _, _ in chains]
    ws = [w for _, w, _, _ in chains]
    w2s = [w2 for _, _, w2, _ in chains]
    bs = [b for _, _, _, b in chains]
    ys = list(exs)
    for li in range(8):
        if li == 5:
            ys = [jnp.concatenate([y, e], axis=-1) for y, e in zip(ys, exs)]
        hs = [jnp.dot(y, w[_OFF[li]:_OFF[li] + _DIN[li]],
                      preferred_element_type=jnp.float32) for y, w in zip(ys, ws)]
        ys = [jnp.maximum(h + b[li:li + 1], 0.0) for h, b in zip(hs, bs)]
    inters = [jnp.dot(y, w[_OFF_INT:_OFF_INT + HX],
                      preferred_element_type=jnp.float32) + b[8:9]
              for y, w, b in zip(ys, ws, bs)]
    denss = [jnp.dot(y, w2[216:344, 0:1],
                     preferred_element_type=jnp.float32) + b[9:10, 0:1]
             for y, w2, b in zip(ys, w2s, bs)]
    cis = [jnp.concatenate([i, e], axis=-1) for i, e in zip(inters, eds)]
    cs = [jnp.maximum(
        jnp.dot(ci, w2[0:152], preferred_element_type=jnp.float32) + b[10:11, 0:HD],
        0.0) for ci, w2, b in zip(cis, w2s, bs)]
    cols = [jax.nn.sigmoid(
        jnp.dot(c, w2[152:216, 0:3], preferred_element_type=jnp.float32)
        + b[11:12, 0:3]) for c, w2, b in zip(cs, w2s, bs)]
    return [jnp.concatenate([dn, cl], axis=-1) for dn, cl in zip(denss, cols)]


def _moe_body(sp_ref, exds_ref, *refs):
    out_ref = refs[-1]
    wrefs = refs[:-1]
    g = pl.program_id(0)

    @pl.when(NEX * g * TE < sp_ref[2 * NTILES])
    def _():
        chains = []
        for j in range(NEX):
            a = sp_ref[NTILES + NEX * g + j]
            emb = exds_ref[pl.ds(a, TE), :]
            chains.append((emb, wrefs[3 * j][0], wrefs[3 * j + 1][0],
                           wrefs[3 * j + 2][0]))
        outs = _mlp_chains(chains)
        for j in range(NEX):
            out_ref[j * TE:(j + 1) * TE] = outs[j]


def _pad_rows(w, rows):
    return jnp.pad(w, ((0, 0), (0, rows - w.shape[1]), (0, 0)))


def _pad_lanes(bvec, lanes=HX):
    return jnp.pad(bvec, ((0, 0), (0, lanes - bvec.shape[1])))


@jax.jit
def kernel(x, d, index, wx0, bx0, wx1, bx1, wx2, bx2, wx3, bx3, wx4, bx4,
           wx5, bx5, wx6, bx6, wx7, bx7, wint, bint, wden, bden, wc1, bc1,
           wc2, bc2):
    w1 = jnp.concatenate(
        [_pad_rows(wx0, 40), wx1, wx2, wx3, wx4, _pad_rows(wx5, 168),
         wx6, wx7, wint], axis=1)
    w2 = jnp.concatenate(
        [wc1, jnp.pad(wc2, ((0, 0), (0, 0), (0, HD - 3))),
         jnp.pad(wden, ((0, 0), (0, 0), (0, HD - 1)))], axis=1)
    wb = jnp.stack(
        [bx0, bx1, bx2, bx3, bx4, bx5, bx6, bx7, bint,
         _pad_lanes(bden), _pad_lanes(bc1), _pad_lanes(bc2)], axis=1)

    idx = index.astype(jnp.int32)
    order = jnp.argsort(idx).astype(jnp.int32)
    counts = jnp.bincount(idx, length=E).astype(jnp.int32)
    starts = jnp.concatenate(
        [jnp.zeros((1,), jnp.int32), jnp.cumsum(counts)[:-1].astype(jnp.int32)])
    pad_counts = ((counts + TE - 1) // TE) * TE
    pcsum = jnp.cumsum(pad_counts).astype(jnp.int32)
    pad_starts = pcsum - pad_counts

    tile_e = jnp.searchsorted(
        pcsum, jnp.arange(NTILES, dtype=jnp.int32) * TE,
        side='right').astype(jnp.int32)
    tile_e = jnp.minimum(tile_e, E - 1)
    srow = jnp.clip(
        starts[tile_e] + jnp.arange(NTILES, dtype=jnp.int32) * TE
        - pad_starts[tile_e], 0, B)
    sp = jnp.concatenate([tile_e, srow, pcsum[E - 1:E]])

    xd = jnp.concatenate([x, d], axis=1)
    xds = jnp.concatenate([xd[order], jnp.zeros((TE, 6), jnp.float32)], axis=0)
    fx = 2.0 ** jnp.arange(NHX, dtype=jnp.float32)
    fd = 2.0 ** jnp.arange(NHD, dtype=jnp.float32)
    px = (xds[:, 0:3, None] * fx).reshape(B + TE, 3 * NHX)
    pd = (xds[:, 3:6, None] * fd).reshape(B + TE, 3 * NHD)
    exds = jnp.concatenate(
        [jnp.sin(px), jnp.cos(px), jnp.sin(pd), jnp.cos(pd)], axis=1)

    grid_spec = pltpu.PrefetchScalarGridSpec(
        num_scalar_prefetch=1,
        grid=(NG,),
        in_specs=[pl.BlockSpec((B + TE, 60), lambda g, sp: (0, 0))] + sum(
            [[pl.BlockSpec((1, _R1, HX),
                           functools.partial(
                               lambda j, g, sp: (sp[NEX * g + j], 0, 0), j)),
              pl.BlockSpec((1, _R2, HD),
                           functools.partial(
                               lambda j, g, sp: (sp[NEX * g + j], 0, 0), j)),
              pl.BlockSpec((1, 12, HX),
                           functools.partial(
                               lambda j, g, sp: (sp[NEX * g + j], 0, 0), j))]
             for j in range(NEX)], []),
        out_specs=pl.BlockSpec((NEX * TE, 4), lambda g, sp: (g, 0)),
    )
    outp = pl.pallas_call(
        _moe_body,
        grid_spec=grid_spec,
        out_shape=jax.ShapeDtypeStruct((NS, 4), jnp.float32),
    )(sp, exds, *([w1, w2, wb] * NEX))

    sorted_e = idx[order]
    slot = jnp.arange(B, dtype=jnp.int32) + (pad_starts - starts)[sorted_e]
    slot_of_row = jnp.zeros((B,), jnp.int32).at[order].set(slot)
    return outp[slot_of_row]

# --- scband reference (transcript-rebuilt; emitter-appended) ---
"""Pipeline reference for scband-nerf-experts-5669356832627 (READ-ONLY COPY).

The authoritative reference and input builder live on the scoring server;
editing this copy changes nothing except your own understanding.
"""

import jax, jax.numpy as jnp
import numpy as np

E = 100
HX = 128
HD = 64
NHX = 6
NHD = 4
B = 4096
DIMX = 3 * NHX * 2
DIMD = 3 * NHD * 2


def _layer_dims():
    dims = []
    for li in range(8):
        if li == 0:
            dims.append(DIMX)
        elif li == 5:
            dims.append(HX + DIMX)
        else:
            dims.append(HX)
    return dims


def setup_inputs(seed: int = 0):
    key = jax.random.key(seed)
    ks = jax.random.split(key, 32)
    inp = {}
    inp["x"] = jax.random.normal(ks[0], (B, 3), dtype=jnp.float32)
    inp["d"] = jax.random.normal(ks[1], (B, 3), dtype=jnp.float32)
    inp["index"] = jax.random.randint(ks[2], (B,), 0, E)
    i = 3
    for li, din in enumerate(_layer_dims()):
        inp["wx%d" % li] = jax.random.normal(ks[i], (E, din, HX), dtype=jnp.float32) * (1.0 / np.sqrt(din))
        i += 1
        inp["bx%d" % li] = jnp.zeros((E, HX), dtype=jnp.float32)
    inp["wint"] = jax.random.normal(ks[i], (E, HX, HX), dtype=jnp.float32) * (1.0 / np.sqrt(HX)); i += 1
    inp["bint"] = jnp.zeros((E, HX), dtype=jnp.float32)
    inp["wden"] = jax.random.normal(ks[i], (E, HX, 1), dtype=jnp.float32) * (1.0 / np.sqrt(HX)); i += 1
    inp["bden"] = jnp.zeros((E, 1), dtype=jnp.float32)
    inp["wc1"] = jax.random.normal(ks[i], (E, HX + DIMD, HD), dtype=jnp.float32) * (1.0 / np.sqrt(HX + DIMD)); i += 1
    inp["bc1"] = jnp.zeros((E, HD), dtype=jnp.float32)
    inp["wc2"] = jax.random.normal(ks[i], (E, HD, 3), dtype=jnp.float32) * (1.0 / np.sqrt(HD)); i += 1
    inp["bc2"] = jnp.zeros((E, 3), dtype=jnp.float32)
    return inp


def _harm(v, n):
    f = 2.0 ** jnp.arange(n, dtype=jnp.float32)
    e = (v[..., None] * f).reshape(v.shape[:-1] + (-1,))
    return jnp.concatenate([jnp.sin(e), jnp.cos(e)], axis=-1)


def _elin(h, W, b, idx):
    # Experts.forward: per-sample expert weight gather + batched matvec
    return jnp.einsum('bi,bio->bo', h, W[idx]) + b[idx]


def reference(x, d, index, wx0, bx0, wx1, bx1, wx2, bx2, wx3, bx3, wx4, bx4, wx5, bx5, wx6, bx6, wx7, bx7, wint, bint, wden, bden, wc1, bc1, wc2, bc2):
    ws = [wx0, wx1, wx2, wx3, wx4, wx5, wx6, wx7]
    bs = [bx0, bx1, bx2, bx3, bx4, bx5, bx6, bx7]
    ex = _harm(x, NHX)
    ed = _harm(d, NHD)
    y = ex
    for li in range(8):
        if li == 5:
            y = jnp.concatenate([y, ex], axis=-1)
        y = jax.nn.relu(_elin(y, ws[li], bs[li], index))
    density = _elin(y, wden, bden, index)
    inter = _elin(y, wint, bint, index)
    c = jax.nn.relu(_elin(jnp.concatenate([inter, ed], axis=-1), wc1, bc1, index))
    color = jax.nn.sigmoid(_elin(c, wc2, bc2, index))
    return jnp.concatenate([density, color], axis=-1)

if __name__ == "__main__":
    import jax
    _d = setup_inputs()
    print(jax.jit(kernel)(*tuple(_d.values())))

</pallas_src>

<mosaic_0001>
module attributes {stable_mosaic.version = 14 : i64} {
  func.func @_moe_body(%arg0: i32, %arg1: memref<265xi32, #tpu.memory_space<smem>>, %arg2: memref<4224x60xf32, #tpu.memory_space<vmem>>, %arg3: memref<1x1104x128xf32, #tpu.memory_space<vmem>>, %arg4: memref<1x344x64xf32, #tpu.memory_space<vmem>>, %arg5: memref<1x12x128xf32, #tpu.memory_space<vmem>>, %arg6: memref<1x1104x128xf32, #tpu.memory_space<vmem>>, %arg7: memref<1x344x64xf32, #tpu.memory_space<vmem>>, %arg8: memref<1x12x128xf32, #tpu.memory_space<vmem>>, %arg9: memref<1x1104x128xf32, #tpu.memory_space<vmem>>, %arg10: memref<1x344x64xf32, #tpu.memory_space<vmem>>, %arg11: memref<1x12x128xf32, #tpu.memory_space<vmem>>, %arg12: memref<1x1104x128xf32, #tpu.memory_space<vmem>>, %arg13: memref<1x344x64xf32, #tpu.memory_space<vmem>>, %arg14: memref<1x12x128xf32, #tpu.memory_space<vmem>>, %arg15: memref<512x4xf32, #tpu.memory_space<vmem>>) attributes {dimension_semantics = [#tpu.dimension_semantics<arbitrary>], iteration_bounds = array<i64: 33>, scalar_prefetch = 1 : i64, scratch_operands = 0 : i64, tpu.core_type = #tpu.core_type<tc>, window_params = [{pipeline_mode = #tpu.pipeline_mode<synchronous>, transform_indices = @transform_0, window_bounds = array<i64: 4224, 60>}, {transform_indices = @transform_1, window_bounds = array<i64: 1, 1104, 128>}, {transform_indices = @transform_2, window_bounds = array<i64: 1, 344, 64>}, {transform_indices = @transform_3, window_bounds = array<i64: 1, 12, 128>}, {transform_indices = @transform_4, window_bounds = array<i64: 1, 1104, 128>}, {transform_indices = @transform_5, window_bounds = array<i64: 1, 344, 64>}, {transform_indices = @transform_6, window_bounds = array<i64: 1, 12, 128>}, {transform_indices = @transform_7, window_bounds = array<i64: 1, 1104, 128>}, {transform_indices = @transform_8, window_bounds = array<i64: 1, 344, 64>}, {transform_indices = @transform_9, window_bounds = array<i64: 1, 12, 128>}, {transform_indices = @transform_10, window_bounds = array<i64: 1, 1104, 128>}, {transform_indices = @transform_11, window_bounds = array<i64: 1, 344, 64>}, {transform_indices = @transform_12, window_bounds = array<i64: 1, 12, 128>}, {transform_indices = @transform_13, window_bounds = array<i64: 512, 4>}]} {
    %mul3A = arith.constant 4 : i32
    %mul3A_0 = arith.muli %mul3A, %arg0 : i32
    %mul3A_1 = arith.constant 128 : i32
    %mul3A_2 = arith.muli %mul3A_0, %mul3A_1 : i32
    %get3A = arith.constant 264 : index
    %get3A_3 = memref.load %arg1[%get3A] : memref<265xi32, #tpu.memory_space<smem>>
    %lt3A = arith.cmpi slt, %mul3A_2, %get3A_3 : i32
    %convert_element_type3A = arith.extui %lt3A : i1 to i32
    %cond3A = arith.constant 0 : i32
    %cond3A_4 = arith.cmpi ne, %convert_element_type3A, %cond3A : i32
    scf.if %cond3A_4 {
      %mul3A_5 = arith.constant 4 : i32
      %mul3A_6 = arith.muli %mul3A_5, %arg0 : i32
      %add3A = arith.constant 132 : i32
      %add3A_7 = arith.addi %add3A, %mul3A_6 : i32
      %add3A_8 = arith.constant 0 : i32
      %add3A_9 = arith.addi %add3A_7, %add3A_8 : i32
      %get3A_10 = arith.index_cast %add3A_9 : i32 to index
      %get3A_11 = memref.load %arg1[%get3A_10] : memref<265xi32, #tpu.memory_space<smem>>
      %get3A_12 = arith.index_cast %get3A_11 : i32 to index
      %get3A_13 = arith.constant 0 : index
      %get3A_14 = vector.load %arg2[%get3A_12, %get3A_13] : memref<4224x60xf32, #tpu.memory_space<vmem>>, vector<128x60xf32>
      %get3A_15 = arith.constant 0 : index
      %get3A_16 = arith.constant 0 : index
      %get3A_17 = arith.constant 0 : index
      %get3A_18 = vector.load %arg3[%get3A_15, %get3A_16, %get3A_17] : memref<1x1104x128xf32, #tpu.memory_space<vmem>>, vector<1x1104x128xf32>
      %get3A_19 = vector.shape_cast %get3A_18 : vector<1x1104x128xf32> to vector<1104x128xf32>
      %get3A_20 = arith.constant 0 : index
      %get3A_21 = arith.constant 0 : index
      %get3A_22 = arith.constant 0 : index
      %get3A_23 = vector.load %arg4[%get3A_20, %get3A_21, %get3A_22] : memref<1x344x64xf32, #tpu.memory_space<vmem>>, vector<1x344x64xf32>
      %get3A_24 = vector.shape_cast %get3A_23 : vector<1x344x64xf32> to vector<344x64xf32>
      %get3A_25 = arith.constant 0 : index
      %get3A_26 = arith.constant 0 : index
      %get3A_27 = arith.constant 0 : index
      %get3A_28 = vector.load %arg5[%get3A_25, %get3A_26, %get3A_27] : memref<1x12x128xf32, #tpu.memory_space<vmem>>, vector<1x12x128xf32>
      %get3A_29 = vector.shape_cast %get3A_28 : vector<1x12x128xf32> to vector<12x128xf32>
      %mul3A_30 = arith.constant 4 : i32
      %mul3A_31 = arith.muli %mul3A_30, %arg0 : i32
      %add3A_32 = arith.constant 132 : i32
      %add3A_33 = arith.addi %add3A_32, %mul3A_31 : i32
      %add3A_34 = arith.constant 1 : i32
      %add3A_35 = arith.addi %add3A_33, %add3A_34 : i32
      %get3A_36 = arith.index_cast %add3A_35 : i32 to index
      %get3A_37 = memref.load %arg1[%get3A_36] : memref<265xi32, #tpu.memory_space<smem>>
      %get3A_38 = arith.index_cast %get3A_37 : i32 to index
      %get3A_39 = arith.constant 0 : index
      %get3A_40 = vector.load %arg2[%get3A_38, %get3A_39] : memref<4224x60xf32, #tpu.memory_space<vmem>>, vector<128x60xf32>
      %get3A_41 = arith.constant 0 : index
      %get3A_42 = arith.constant 0 : index
      %get3A_43 = arith.constant 0 : index
      %get3A_44 = vector.load %arg6[%get3A_41, %get3A_42, %get3A_43] : memref<1x1104x128xf32, #tpu.memory_space<vmem>>, vector<1x1104x128xf32>
      %get3A_45 = vector.shape_cast %get3A_44 : vector<1x1104x128xf32> to vector<1104x128xf32>
      %get3A_46 = arith.constant 0 : index
      %get3A_47 = arith.constant 0 : index
      %get3A_48 = arith.constant 0 : index
      %get3A_49 = vector.load %arg7[%get3A_46, %get3A_47, %get3A_48] : memref<1x344x64xf32, #tpu.memory_space<vmem>>, vector<1x344x64xf32>
      %get3A_50 = vector.shape_cast %get3A_49 : vector<1x344x64xf32> to vector<344x64xf32>
      %get3A_51 = arith.constant 0 : index
      %get3A_52 = arith.constant 0 : index
      %get3A_53 = arith.constant 0 : index
      %get3A_54 = vector.load %arg8[%get3A_51, %get3A_52, %get3A_53] : memref<1x12x128xf32, #tpu.memory_space<vmem>>, vector<1x12x128xf32>
      %get3A_55 = vector.shape_cast %get3A_54 : vector<1x12x128xf32> to vector<12x128xf32>
      %mul3A_56 = arith.constant 4 : i32
      %mul3A_57 = arith.muli %mul3A_56, %arg0 : i32
      %add3A_58 = arith.constant 132 : i32
      %add3A_59 = arith.addi %add3A_58, %mul3A_57 : i32
      %add3A_60 = arith.constant 2 : i32
      %add3A_61 = arith.addi %add3A_59, %add3A_60 : i32
      %get3A_62 = arith.index_cast %add3A_61 : i32 to index
      %get3A_63 = memref.load %arg1[%get3A_62] : memref<265xi32, #tpu.memory_space<smem>>
      %get3A_64 = arith.index_cast %get3A_63 : i32 to index
      %get3A_65 = arith.constant 0 : index
      %get3A_66 = vector.load %arg2[%get3A_64, %get3A_65] : memref<4224x60xf32, #tpu.memory_space<vmem>>, vector<128x60xf32>
      %get3A_67 = arith.constant 0 : index
      %get3A_68 = arith.constant 0 : index
      %get3A_69 = arith.constant 0 : index
      %get3A_70 = vector.load %arg9[%get3A_67, %get3A_68, %get3A_69] : memref<1x1104x128xf32, #tpu.memory_space<vmem>>, vector<1x1104x128xf32>
      %get3A_71 = vector.shape_cast %get3A_70 : vector<1x1104x128xf32> to vector<1104x128xf32>
      %get3A_72 = arith.constant 0 : index
      %get3A_73 = arith.constant 0 : index
      %get3A_74 = arith.constant 0 : index
      %get3A_75 = vector.load %arg10[%get3A_72, %get3A_73, %get3A_74] : memref<1x344x64xf32, #tpu.memory_space<vmem>>, vector<1x344x64xf32>
      %get3A_76 = vector.shape_cast %get3A_75 : vector<1x344x64xf32> to vector<344x64xf32>
      %get3A_77 = arith.constant 0 : index
      %get3A_78 = arith.constant 0 : index
      %get3A_79 = arith.constant 0 : index
      %get3A_80 = vector.load %arg11[%get3A_77, %get3A_78, %get3A_79] : memref<1x12x128xf32, #tpu.memory_space<vmem>>, vector<1x12x128xf32>
      %get3A_81 = vector.shape_cast %get3A_80 : vector<1x12x128xf32> to vector<12x128xf32>
      %mul3A_82 = arith.constant 4 : i32
      %mul3A_83 = arith.muli %mul3A_82, %arg0 : i32
      %add3A_84 = arith.constant 132 : i32
      %add3A_85 = arith.addi %add3A_84, %mul3A_83 : i32
      %add3A_86 = arith.constant 3 : i32
      %add3A_87 = arith.addi %add3A_85, %add3A_86 : i32
      %get3A_88 = arith.index_cast %add3A_87 : i32 to index
      %get3A_89 = memref.load %arg1[%get3A_88] : memref<265xi32, #tpu.memory_space<smem>>
      %get3A_90 = arith.index_cast %get3A_89 : i32 to index
      %get3A_91 = arith.constant 0 : index
      %get3A_92 = vector.load %arg2[%get3A_90, %get3A_91] : memref<4224x60xf32, #tpu.memory_space<vmem>>, vector<128x60xf32>
      %get3A_93 = arith.constant 0 : index
      %get3A_94 = arith.constant 0 : index
      %get3A_95 = arith.constant 0 : index
      %get3A_96 = vector.load %arg12[%get3A_93, %get3A_94, %get3A_95] : memref<1x1104x128xf32, #tpu.memory_space<vmem>>, vector<1x1104x128xf32>
      %get3A_97 = vector.shape_cast %get3A_96 : vector<1x1104x128xf32> to vector<1104x128xf32>
      %get3A_98 = arith.constant 0 : index
      %get3A_99 = arith.constant 0 : index
      %get3A_100 = arith.constant 0 : index
      %get3A_101 = vector.load %arg13[%get3A_98, %get3A_99, %get3A_100] : memref<1x344x64xf32, #tpu.memory_space<vmem>>, vector<1x344x64xf32>
      %get3A_102 = vector.shape_cast %get3A_101 : vector<1x344x64xf32> to vector<344x64xf32>
      %get3A_103 = arith.constant 0 : index
      %get3A_104 = arith.constant 0 : index
      %get3A_105 = arith.constant 0 : index
      %get3A_106 = vector.load %arg14[%get3A_103, %get3A_104, %get3A_105] : memref<1x12x128xf32, #tpu.memory_space<vmem>>, vector<1x12x128xf32>
      %get3A_107 = vector.shape_cast %get3A_106 : vector<1x12x128xf32> to vector<12x128xf32>
      %slice3A = vector.extract_strided_slice %get3A_14 {offsets = [0, 0], sizes = [128, 36], strides = [1, 1]} : vector<128x60xf32> to vector<128x36xf32>
      %slice3A_108 = vector.extract_strided_slice %get3A_40 {offsets = [0, 0], sizes = [128, 36], strides = [1, 1]} : vector<128x60xf32> to vector<128x36xf32>
      %slice3A_109 = vector.extract_strided_slice %get3A_66 {offsets = [0, 0], sizes = [128, 36], strides = [1, 1]} : vector<128x60xf32> to vector<128x36xf32>
      %slice3A_110 = vector.extract_strided_slice %get3A_92 {offsets = [0, 0], sizes = [128, 36], strides = [1, 1]} : vector<128x60xf32> to vector<128x36xf32>
      %slice3A_111 = vector.extract_strided_slice %get3A_14 {offsets = [0, 36], sizes = [128, 24], strides = [1, 1]} : vector<128x60xf32> to vector<128x24xf32>
      %slice3A_112 = vector.extract_strided_slice %get3A_40 {offsets = [0, 36], sizes = [128, 24], strides = [1, 1]} : vector<128x60xf32> to vector<128x24xf32>
      %slice3A_113 = vector.extract_strided_slice %get3A_66 {offsets = [0, 36], sizes = [128, 24], strides = [1, 1]} : vector<128x60xf32> to vector<128x24xf32>
      %slice3A_114 = vector.extract_strided_slice %get3A_92 {offsets = [0, 36], sizes = [128, 24], strides = [1, 1]} : vector<128x60xf32> to vector<128x24xf32>
      %slice3A_115 = vector.extract_strided_slice %get3A_19 {offsets = [0, 0], sizes = [36, 128], strides = [1, 1]} : vector<1104x128xf32> to vector<36x128xf32>
      %dot_general3A = arith.constant dense<0.000000e+00> : vector<128x128xf32>
      %dot_general3A_116 = tpu.matmul %slice3A, %slice3A_115, %dot_general3A {dimension_numbers = #tpu.dot_dimension_numbers<[1], [0], [0], [1], [0, 0, 1, 1], [], []>, transpose_lhs_hint = false} : vector<128x36xf32>, vector<36x128xf32>, vector<128x128xf32> -> vector<128x128xf32>
      %slice3A_117 = vector.extract_strided_slice %get3A_45 {offsets = [0, 0], sizes = [36, 128], strides = [1, 1]} : vector<1104x128xf32> to vector<36x128xf32>
      %dot_general3A_118 = arith.constant dense<0.000000e+00> : vector<128x128xf32>
      %dot_general3A_119 = tpu.matmul %slice3A_108, %slice3A_117, %dot_general3A_118 {dimension_numbers = #tpu.dot_dimension_numbers<[1], [0], [0], [1], [0, 0, 1, 1], [], []>, transpose_lhs_hint = false} : vector<128x36xf32>, vector<36x128xf32>, vector<128x128xf32> -> vector<128x128xf32>
      %slice3A_120 = vector.extract_strided_slice %get3A_71 {offsets = [0, 0], sizes = [36, 128], strides = [1, 1]} : vector<1104x128xf32> to vector<36x128xf32>
      %dot_general3A_121 = arith.constant dense<0.000000e+00> : vector<128x128xf32>
      %dot_general3A_122 = tpu.matmul %slice3A_109, %slice3A_120, %dot_general3A_121 {dimension_numbers = #tpu.dot_dimension_numbers<[1], [0], [0], [1], [0, 0, 1, 1], [], []>, transpose_lhs_hint = false} : vector<128x36xf32>, vector<36x128xf32>, vector<128x128xf32> -> vector<128x128xf32>
      %slice3A_123 = vector.extract_strided_slice %get3A_97 {offsets = [0, 0], sizes = [36, 128], strides = [1, 1]} : vector<1104x128xf32> to vector<36x128xf32>
      %dot_general3A_124 = arith.constant dense<0.000000e+00> : vector<128x128xf32>
      %dot_general3A_125 = tpu.matmul %slice3A_110, %slice3A_123, %dot_general3A_124 {dimension_numbers = #tpu.dot_dimension_numbers<[1], [0], [0], [1], [0, 0, 1, 1], [], []>, transpose_lhs_hint = false} : vector<128x36xf32>, vector<36x128xf32>, vector<128x128xf32> -> vector<128x128xf32>
      %slice3A_126 = vector.extract_strided_slice %get3A_29 {offsets = [0, 0], sizes = [1, 128], strides = [1, 1]} : vector<12x128xf32> to vector<1x128xf32>
      %add3A_127 = vector.broadcast %slice3A_126 : vector<1x128xf32> to vector<128x128xf32>
      %add3A_128 = arith.addf %dot_general3A_116, %add3A_127 : vector<128x128xf32>
      %max3A = arith.constant 0.000000e+00 : f32
      %max3A_129 = vector.broadcast %max3A : f32 to vector<128x128xf32>
      %max3A_130 = arith.maximumf %add3A_128, %max3A_129 : vector<128x128xf32>
      %slice3A_131 = vector.extract_strided_slice %get3A_55 {offsets = [0, 0], sizes = [1, 128], strides = [1, 1]} : vector<12x128xf32> to vector<1x128xf32>
      %add3A_132 = vector.broadcast %slice3A_131 : vector<1x128xf32> to vector<128x128xf32>
      %add3A_133 = arith.addf %dot_general3A_119, %add3A_132 : vector<128x128xf32>
      %max3A_134 = arith.constant 0.000000e+00 : f32
      %max3A_135 = vector.broadcast %max3A_134 : f32 to vector<128x128xf32>
      %max3A_136 = arith.maximumf %add3A_133, %max3A_135 : vector<128x128xf32>
      %slice3A_137 = vector.extract_strided_slice %get3A_81 {offsets = [0, 0], sizes = [1, 128], strides = [1, 1]} : vector<12x128xf32> to vector<1x128xf32>
      %add3A_138 = vector.broadcast %slice3A_137 : vector<1x128xf32> to vector<128x128xf32>
      %add3A_139 = arith.addf %dot_general3A_122, %add3A_138 : vector<128x128xf32>
      %max3A_140 = arith.constant 0.000000e+00 : f32
      %max3A_141 = vector.broadcast %max3A_140 : f32 to vector<128x128xf32>
      %max3A_142 = arith.maximumf %add3A_139, %max3A_141 : vector<128x128xf32>
      %slice3A_143 = vector.extract_strided_slice %get3A_107 {offsets = [0, 0], sizes = [1, 128], strides = [1, 1]} : vector<12x128xf32> to vector<1x128xf32>
      %add3A_144 = vector.broadcast %slice3A_143 : vector<1x128xf32> to vector<128x128xf32>
      %add3A_145 = arith.addf %dot_general3A_125, %add3A_144 : vector<128x128xf32>
      %max3A_146 = arith.constant 0.000000e+00 : f32
      %max3A_147 = vector.broadcast %max3A_146 : f32 to vector<128x128xf32>
      %max3A_148 = arith.maximumf %add3A_145, %max3A_147 : vector<128x128xf32>
      %slice3A_149 = vector.extract_strided_slice %get3A_19 {offsets = [40, 0], sizes = [128, 128], strides = [1, 1]} : vector<1104x128xf32> to vector<128x128xf32>
      %dot_general3A_150 = arith.constant dense<0.000000e+00> : vector<128x128xf32>
      %dot_general3A_151 = tpu.matmul %max3A_130, %slice3A_149, %dot_general3A_150 {dimension_numbers = #tpu.dot_dimension_numbers<[1], [0], [0], [1], [0, 0, 1, 1], [], []>, transpose_lhs_hint = false} : vector<128x128xf32>, vector<128x128xf32>, vector<128x128xf32> -> vector<128x128xf32>
      %slice3A_152 = vector.extract_strided_slice %get3A_45 {offsets = [40, 0], sizes = [128, 128], strides = [1, 1]} : vector<1104x128xf32> to vector<128x128xf32>
      %dot_general3A_153 = arith.constant dense<0.000000e+00> : vector<128x128xf32>
      %dot_general3A_154 = tpu.matmul %max3A_136, %slice3A_152, %dot_general3A_153 {dimension_numbers = #tpu.dot_dimension_numbers<[1], [0], [0], [1], [0, 0, 1, 1], [], []>, transpose_lhs_hint = false} : vector<128x128xf32>, vector<128x128xf32>, vector<128x128xf32> -> vector<128x128xf32>
      %slice3A_155 = vector.extract_strided_slice %get3A_71 {offsets = [40, 0], sizes = [128, 128], strides = [1, 1]} : vector<1104x128xf32> to vector<128x128xf32>
      %dot_general3A_156 = arith.constant dense<0.000000e+00> : vector<128x128xf32>
      %dot_general3A_157 = tpu.matmul %max3A_142, %slice3A_155, %dot_general3A_156 {dimension_numbers = #tpu.dot_dimension_numbers<[1], [0], [0], [1], [0, 0, 1, 1], [], []>, transpose_lhs_hint = false} : vector<128x128xf32>, vector<128x128xf32>, vector<128x128xf32> -> vector<128x128xf32>
      %slice3A_158 = vector.extract_strided_slice %get3A_97 {offsets = [40, 0], sizes = [128, 128], strides = [1, 1]} : vector<1104x128xf32> to vector<128x128xf32>
      %dot_general3A_159 = arith.constant dense<0.000000e+00> : vector<128x128xf32>
      %dot_general3A_160 = tpu.matmul %max3A_148, %slice3A_158, %dot_general3A_159 {dimension_numbers = #tpu.dot_dimension_numbers<[1], [0], [0], [1], [0, 0, 1, 1], [], []>, transpose_lhs_hint = false} : vector<128x128xf32>, vector<128x128xf32>, vector<128x128xf32> -> vector<128x128xf32>
      %slice3A_161 = vector.extract_strided_slice %get3A_29 {offsets = [1, 0], sizes = [1, 128], strides = [1, 1]} : vector<12x128xf32> to vector<1x128xf32>
      %add3A_162 = vector.broadcast %slice3A_161 : vector<1x128xf32> to vector<128x128xf32>
      %add3A_163 = arith.addf %dot_general3A_151, %add3A_162 : vector<128x128xf32>
      %max3A_164 = arith.constant 0.000000e+00 : f32
      %max3A_165 = vector.broadcast %max3A_164 : f32 to vector<128x128xf32>
      %max3A_166 = arith.maximumf %add3A_163, %max3A_165 : vector<128x128xf32>
      %slice3A_167 = vector.extract_strided_slice %get3A_55 {offsets = [1, 0], sizes = [1, 128], strides = [1, 1]} : vector<12x128xf32> to vector<1x128xf32>
      %add3A_168 = vector.broadcast %slice3A_167 : vector<1x128xf32> to vector<128x128xf32>
      %add3A_169 = arith.addf %dot_general3A_154, %add3A_168 : vector<128x128xf32>
      %max3A_170 = arith.constant 0.000000e+00 : f32
      %max3A_171 = vector.broadcast %max3A_170 : f32 to vector<128x128xf32>
      %max3A_172 = arith.maximumf %add3A_169, %max3A_171 : vector<128x128xf32>
      %slice3A_173 = vector.extract_strided_slice %get3A_81 {offsets = [1, 0], sizes = [1, 128], strides = [1, 1]} : vector<12x128xf32> to vector<1x128xf32>
      %add3A_174 = vector.broadcast %slice3A_173 : vector<1x128xf32> to vector<128x128xf32>
      %add3A_175 = arith.addf %dot_general3A_157, %add3A_174 : vector<128x128xf32>
      %max3A_176 = arith.constant 0.000000e+00 : f32
      %max3A_177 = vector.broadcast %max3A_176 : f32 to vector<128x128xf32>
      %max3A_178 = arith.maximumf %add3A_175, %max3A_177 : vector<128x128xf32>
      %slice3A_179 = vector.extract_strided_slice %get3A_107 {offsets = [1, 0], sizes = [1, 128], strides = [1, 1]} : vector<12x128xf32> to vector<1x128xf32>
      %add3A_180 = vector.broadcast %slice3A_179 : vector<1x128xf32> to vector<128x128xf32>
      %add3A_181 = arith.addf %dot_general3A_160, %add3A_180 : vector<128x128xf32>
      %max3A_182 = arith.constant 0.000000e+00 : f32
      %max3A_183 = vector.broadcast %max3A_182 : f32 to vector<128x128xf32>
      %max3A_184 = arith.maximumf %add3A_181, %max3A_183 : vector<128x128xf32>
      %slice3A_185 = vector.extract_strided_slice %get3A_19 {offsets = [168, 0], sizes = [128, 128], strides = [1, 1]} : vector<1104x128xf32> to vector<128x128xf32>
      %dot_general3A_186 = arith.constant dense<0.000000e+00> : vector<128x128xf32>
      %dot_general3A_187 = tpu.matmul %max3A_166, %slice3A_185, %dot_general3A_186 {dimension_numbers = #tpu.dot_dimension_numbers<[1], [0], [0], [1], [0, 0, 1, 1], [], []>, transpose_lhs_hint = false} : vector<128x128xf32>, vector<128x128xf32>, vector<128x128xf32> -> vector<128x128xf32>
      %slice3A_188 = vector.extract_strided_slice %get3A_45 {offsets = [168, 0], sizes = [128, 128], strides = [1, 1]} : vector<1104x128xf32> to vector<128x128xf32>
      %dot_general3A_189 = arith.constant dense<0.000000e+00> : vector<128x128xf32>
      %dot_general3A_190 = tpu.matmul %max3A_172, %slice3A_188, %dot_general3A_189 {dimension_numbers = #tpu.dot_dimension_numbers<[1], [0], [0], [1], [0, 0, 1, 1], [], []>, transpose_lhs_hint = false} : vector<128x128xf32>, vector<128x128xf32>, vector<128x128xf32> -> vector<128x128xf32>
      %slice3A_191 = vector.extract_strided_slice %get3A_71 {offsets = [168, 0], sizes = [128, 128], strides = [1, 1]} : vector<1104x128xf32> to vector<128x128xf32>
      %dot_general3A_192 = arith.constant dense<0.000000e+00> : vector<128x128xf32>
      %dot_general3A_193 = tpu.matmul %max3A_178, %slice3A_191, %dot_general3A_192 {dimension_numbers = #tpu.dot_dimension_numbers<[1], [0], [0], [1], [0, 0, 1, 1], [], []>, transpose_lhs_hint = false} : vector<128x128xf32>, vector<128x128xf32>, vector<128x128xf32> -> vector<128x128xf32>
      %slice3A_194 = vector.extract_strided_slice %get3A_97 {offsets = [168, 0], sizes = [128, 128], strides = [1, 1]} : vector<1104x128xf32> to vector<128x128xf32>
      %dot_general3A_195 = arith.constant dense<0.000000e+00> : vector<128x128xf32>
      %dot_general3A_196 = tpu.matmul %max3A_184, %slice3A_194, %dot_general3A_195 {dimension_numbers = #tpu.dot_dimension_numbers<[1], [0], [0], [1], [0, 0, 1, 1], [], []>, transpose_lhs_hint = false} : vector<128x128xf32>, vector<128x128xf32>, vector<128x128xf32> -> vector<128x128xf32>
      %slice3A_197 = vector.extract_strided_slice %get3A_29 {offsets = [2, 0], sizes = [1, 128], strides = [1, 1]} : vector<12x128xf32> to vector<1x128xf32>
      %add3A_198 = vector.broadcast %slice3A_197 : vector<1x128xf32> to vector<128x128xf32>
      %add3A_199 = arith.addf %dot_general3A_187, %add3A_198 : vector<128x128xf32>
      %max3A_200 = arith.constant 0.000000e+00 : f32
      %max3A_201 = vector.broadcast %max3A_200 : f32 to vector<128x128xf32>
      %max3A_202 = arith.maximumf %add3A_199, %max3A_201 : vector<128x128xf32>
      %slice3A_203 = vector.extract_strided_slice %get3A_55 {offsets = [2, 0], sizes = [1, 128], strides = [1, 1]} : vector<12x128xf32> to vector<1x128xf32>
      %add3A_204 = vector.broadcast %slice3A_203 : vector<1x128xf32> to vector<128x128xf32>
      %add3A_205 = arith.addf %dot_general3A_190, %add3A_204 : vector<128x128xf32>
      %max3A_206 = arith.constant 0.000000e+00 : f32
      %max3A_207 = vector.broadcast %max3A_206 : f32 to vector<128x128xf32>
      %max3A_208 = arith.maximumf %add3A_205, %max3A_207 : vector<128x128xf32>
      %slice3A_209 = vector.extract_strided_slice %get3A_81 {offsets = [2, 0], sizes = [1, 128], strides = [1, 1]} : vector<12x128xf32> to vector<1x128xf32>
      %add3A_210 = vector.broadcast %slice3A_209 : vector<1x128xf32> to vector<128x128xf32>
      %add3A_211 = arith.addf %dot_general3A_193, %add3A_210 : vector<128x128xf32>
      %max3A_212 = arith.constant 0.000000e+00 : f32
      %max3A_213 = vector.broadcast %max3A_212 : f32 to vector<128x128xf32>
      %max3A_214 = arith.maximumf %add3A_211, %max3A_213 : vector<128x128xf32>
      %slice3A_215 = vector.extract_strided_slice %get3A_107 {offsets = [2, 0], sizes = [1, 128], strides = [1, 1]} : vector<12x128xf32> to vector<1x128xf32>
      %add3A_216 = vector.broadcast %slice3A_215 : vector<1x128xf32> to vector<128x128xf32>
      %add3A_217 = arith.addf %dot_general3A_196, %add3A_216 : vector<128x128xf32>
      %max3A_218 = arith.constant 0.000000e+00 : f32
      %max3A_219 = vector.broadcast %max3A_218 : f32 to vector<128x128xf32>
      %max3A_220 = arith.maximumf %add3A_217, %max3A_219 : vector<128x128xf32>
      %slice3A_221 = vector.extract_strided_slice %get3A_19 {offsets = [296, 0], sizes = [128, 128], strides = [1, 1]} : vector<1104x128xf32> to vector<128x128xf32>
      %dot_general3A_222 = arith.constant dense<0.000000e+00> : vector<128x128xf32>
      %dot_general3A_223 = tpu.matmul %max3A_202, %slice3A_221, %dot_general3A_222 {dimension_numbers = #tpu.dot_dimension_numbers<[1], [0], [0], [1], [0, 0, 1, 1], [], []>, transpose_lhs_hint = false} : vector<128x128xf32>, vector<128x128xf32>, vector<128x128xf32> -> vector<128x128xf32>
      %slice3A_224 = vector.extract_strided_slice %get3A_45 {offsets = [296, 0], sizes = [128, 128], strides = [1, 1]} : vector<1104x128xf32> to vector<128x128xf32>
      %dot_general3A_225 = arith.constant dense<0.000000e+00> : vector<128x128xf32>
      %dot_general3A_226 = tpu.matmul %max3A_208, %slice3A_224, %dot_general3A_225 {dimension_numbers = #tpu.dot_dimension_numbers<[1], [0], [0], [1], [0, 0, 1, 1], [], []>, transpose_lhs_hint = false} : vector<128x128xf32>, vector<128x128xf32>, vector<128x128xf32> -> vector<128x128xf32>
      %slice3A_227 = vector.extract_strided_slice %get3A_71 {offsets = [296, 0], sizes = [128, 128], strides = [1, 1]} : vector<1104x128xf32> to vector<128x128xf32>
      %dot_general3A_228 = arith.constant dense<0.000000e+00> : vector<128x128xf32>
      %dot_general3A_229 = tpu.matmul %max3A_214, %slice3A_227, %dot_general3A_228 {dimension_numbers = #tpu.dot_dimension_numbers<[1], [0], [0], [1], [0, 0, 1, 1], [], []>, transpose_lhs_hint = false} : vector<128x128xf32>, vector<128x128xf32>, vector<128x128xf32> -> vector<128x128xf32>
      %slice3A_230 = vector.extract_strided_slice %get3A_97 {offsets = [296, 0], sizes = [128, 128], strides = [1, 1]} : vector<1104x128xf32> to vector<128x128xf32>
      %dot_general3A_231 = arith.constant dense<0.000000e+00> : vector<128x128xf32>
      %dot_general3A_232 = tpu.matmul %max3A_220, %slice3A_230, %dot_general3A_231 {dimension_numbers = #tpu.dot_dimension_numbers<[1], [0], [0], [1], [0, 0, 1, 1], [], []>, transpose_lhs_hint = false} : vector<128x128xf32>, vector<128x128xf32>, vector<128x128xf32> -> vector<128x128xf32>
      %slice3A_233 = vector.extract_strided_slice %get3A_29 {offsets = [3, 0], sizes = [1, 128], strides = [1, 1]} : vector<12x128xf32> to vector<1x128xf32>
      %add3A_234 = vector.broadcast %slice3A_233 : vector<1x128xf32> to vector<128x128xf32>
      %add3A_235 = arith.addf %dot_general3A_223, %add3A_234 : vector<128x128xf32>
      %max3A_236 = arith.constant 0.000000e+00 : f32
      %max3A_237 = vector.broadcast %max3A_236 : f32 to vector<128x128xf32>
      %max3A_238 = arith.maximumf %add3A_235, %max3A_237 : vector<128x128xf32>
      %slice3A_239 = vector.extract_strided_slice %get3A_55 {offsets = [3, 0], sizes = [1, 128], strides = [1, 1]} : vector<12x128xf32> to vector<1x128xf32>
      %add3A_240 = vector.broadcast %slice3A_239 : vector<1x128xf32> to vector<128x128xf32>
      %add3A_241 = arith.addf %dot_general3A_226, %add3A_240 : vector<128x128xf32>
      %max3A_242 = arith.constant 0.000000e+00 : f32
      %max3A_243 = vector.broadcast %max3A_242 : f32 to vector<128x128xf32>
      %max3A_244 = arith.maximumf %add3A_241, %max3A_243 : vector<128x128xf32>
      %slice3A_245 = vector.extract_strided_slice %get3A_81 {offsets = [3, 0], sizes = [1, 128], strides = [1, 1]} : vector<12x128xf32> to vector<1x128xf32>
      %add3A_246 = vector.broadcast %slice3A_245 : vector<1x128xf32> to vector<128x128xf32>
      %add3A_247 = arith.addf %dot_general3A_229, %add3A_246 : vector<128x128xf32>
      %max3A_248 = arith.constant 0.000000e+00 : f32
      %max3A_249 = vector.broadcast %max3A_248 : f32 to vector<128x128xf32>
      %max3A_250 = arith.maximumf %add3A_247, %max3A_249 : vector<128x128xf32>
      %slice3A_251 = vector.extract_strided_slice %get3A_107 {offsets = [3, 0], sizes = [1, 128], strides = [1, 1]} : vector<12x128xf32> to vector<1x128xf32>
      %add3A_252 = vector.broadcast %slice3A_251 : vector<1x128xf32> to vector<128x128xf32>
      %add3A_253 = arith.addf %dot_general3A_232, %add3A_252 : vector<128x128xf32>
      %max3A_254 = arith.constant 0.000000e+00 : f32
      %max3A_255 = vector.broadcast %max3A_254 : f32 to vector<128x128xf32>
      %max3A_256 = arith.maximumf %add3A_253, %max3A_255 : vector<128x128xf32>
      %slice3A_257 = vector.extract_strided_slice %get3A_19 {offsets = [424, 0], sizes = [128, 128], strides = [1, 1]} : vector<1104x128xf32> to vector<128x128xf32>
      %dot_general3A_258 = arith.constant dense<0.000000e+00> : vector<128x128xf32>
      %dot_general3A_259 = tpu.matmul %max3A_238, %slice3A_257, %dot_general3A_258 {dimension_numbers = #tpu.dot_dimension_numbers<[1], [0], [0], [1], [0, 0, 1, 1], [], []>, transpose_lhs_hint = false} : vector<128x128xf32>, vector<128x128xf32>, vector<128x128xf32> -> vector<128x128xf32>
      %slice3A_260 = vector.extract_strided_slice %get3A_45 {offsets = [424, 0], sizes = [128, 128], strides = [1, 1]} : vector<1104x128xf32> to vector<128x128xf32>
      %dot_general3A_261 = arith.constant dense<0.000000e+00> : vector<128x128xf32>
      %dot_general3A_262 = tpu.matmul %max3A_244, %slice3A_260, %dot_general3A_261 {dimension_numbers = #tpu.dot_dimension_numbers<[1], [0], [0], [1], [0, 0, 1, 1], [], []>, transpose_lhs_hint = false} : vector<128x128xf32>, vector<128x128xf32>, vector<128x128xf32> -> vector<128x128xf32>
      %slice3A_263 = vector.extract_strided_slice %get3A_71 {offsets = [424, 0], sizes = [128, 128], strides = [1, 1]} : vector<1104x128xf32> to vector<128x128xf32>
      %dot_general3A_264 = arith.constant dense<0.000000e+00> : vector<128x128xf32>
      %dot_general3A_265 = tpu.matmul %max3A_250, %slice3A_263, %dot_general3A_264 {dimension_numbers = #tpu.dot_dimension_numbers<[1], [0], [0], [1], [0, 0, 1, 1], [], []>, transpose_lhs_hint = false} : vector<128x128xf32>, vector<128x128xf32>, vector<128x128xf32> -> vector<128x128xf32>
      %slice3A_266 = vector.extract_strided_slice %get3A_97 {offsets = [424, 0], sizes = [128, 128], strides = [1, 1]} : vector<1104x128xf32> to vector<128x128xf32>
      %dot_general3A_267 = arith.constant dense<0.000000e+00> : vector<128x128xf32>
      %dot_general3A_268 = tpu.matmul %max3A_256, %slice3A_266, %dot_general3A_267 {dimension_numbers = #tpu.dot_dimension_numbers<[1], [0], [0], [1], [0, 0, 1, 1], [], []>, transpose_lhs_hint = false} : vector<128x128xf32>, vector<128x128xf32>, vector<128x128xf32> -> vector<128x128xf32>
      %slice3A_269 = vector.extract_strided_slice %get3A_29 {offsets = [4, 0], sizes = [1, 128], strides = [1, 1]} : vector<12x128xf32> to vector<1x128xf32>
      %add3A_270 = vector.broadcast %slice3A_269 : vector<1x128xf32> to vector<128x128xf32>
      %add3A_271 = arith.addf %dot_general3A_259, %add3A_270 : vector<128x128xf32>
      %max3A_272 = arith.constant 0.000000e+00 : f32
      %max3A_273 = vector.broadcast %max3A_272 : f32 to vector<128x128xf32>
      %max3A_274 = arith.maximumf %add3A_271, %max3A_273 : vector<128x128xf32>
      %slice3A_275 = vector.extract_strided_slice %get3A_55 {offsets = [4, 0], sizes = [1, 128], strides = [1, 1]} : vector<12x128xf32> to vector<1x128xf32>
      %add3A_276 = vector.broadcast %slice3A_275 : vector<1x128xf32> to vector<128x128xf32>
      %add3A_277 = arith.addf %dot_general3A_262, %add3A_276 : vector<128x128xf32>
      %max3A_278 = arith.constant 0.000000e+00 : f32
      %max3A_279 = vector.broadcast %max3A_278 : f32 to vector<128x128xf32>
      %max3A_280 = arith.maximumf %add3A_277, %max3A_279 : vector<128x128xf32>
      %slice3A_281 = vector.extract_strided_slice %get3A_81 {offsets = [4, 0], sizes = [1, 128], strides = [1, 1]} : vector<12x128xf32> to vector<1x128xf32>
      %add3A_282 = vector.broadcast %slice3A_281 : vector<1x128xf32> to vector<128x128xf32>
      %add3A_283 = arith.addf %dot_general3A_265, %add3A_282 : vector<128x128xf32>
      %max3A_284 = arith.constant 0.000000e+00 : f32
      %max3A_285 = vector.broadcast %max3A_284 : f32 to vector<128x128xf32>
      %max3A_286 = arith.maximumf %add3A_283, %max3A_285 : vector<128x128xf32>
      %slice3A_287 = vector.extract_strided_slice %get3A_107 {offsets = [4, 0], sizes = [1, 128], strides = [1, 1]} : vector<12x128xf32> to vector<1x128xf32>
      %add3A_288 = vector.broadcast %slice3A_287 : vector<1x128xf32> to vector<128x128xf32>
      %add3A_289 = arith.addf %dot_general3A_268, %add3A_288 : vector<128x128xf32>
      %max3A_290 = arith.constant 0.000000e+00 : f32
      %max3A_291 = vector.broadcast %max3A_290 : f32 to vector<128x128xf32>
      %max3A_292 = arith.maximumf %add3A_289, %max3A_291 : vector<128x128xf32>
      %concatenate3A = tpu.concatenate %max3A_274, %slice3A in 1 : vector<128x128xf32>, vector<128x36xf32> -> vector<128x164xf32>
      %concatenate3A_293 = tpu.concatenate %max3A_280, %slice3A_108 in 1 : vector<128x128xf32>, vector<128x36xf32> -> vector<128x164xf32>
      %concatenate3A_294 = tpu.concatenate %max3A_286, %slice3A_109 in 1 : vector<128x128xf32>, vector<128x36xf32> -> vector<128x164xf32>
      %concatenate3A_295 = tpu.concatenate %max3A_292, %slice3A_110 in 1 : vector<128x128xf32>, vector<128x36xf32> -> vector<128x164xf32>
      %slice3A_296 = vector.extract_strided_slice %get3A_19 {offsets = [552, 0], sizes = [164, 128], strides = [1, 1]} : vector<1104x128xf32> to vector<164x128xf32>
      %dot_general3A_297 = arith.constant dense<0.000000e+00> : vector<128x128xf32>
      %dot_general3A_298 = tpu.matmul %concatenate3A, %slice3A_296, %dot_general3A_297 {dimension_numbers = #tpu.dot_dimension_numbers<[1], [0], [0], [1], [0, 0, 1, 1], [], []>, transpose_lhs_hint = false} : vector<128x164xf32>, vector<164x128xf32>, vector<128x128xf32> -> vector<128x128xf32>
      %slice3A_299 = vector.extract_strided_slice %get3A_45 {offsets = [552, 0], sizes = [164, 128], strides = [1, 1]} : vector<1104x128xf32> to vector<164x128xf32>
      %dot_general3A_300 = arith.constant dense<0.000000e+00> : vector<128x128xf32>
      %dot_general3A_301 = tpu.matmul %concatenate3A_293, %slice3A_299, %dot_general3A_300 {dimension_numbers = #tpu.dot_dimension_numbers<[1], [0], [0], [1], [0, 0, 1, 1], [], []>, transpose_lhs_hint = false} : vector<128x164xf32>, vector<164x128xf32>, vector<128x128xf32> -> vector<128x128xf32>
      %slice3A_302 = vector.extract_strided_slice %get3A_71 {offsets = [552, 0], sizes = [164, 128], strides = [1, 1]} : vector<1104x128xf32> to vector<164x128xf32>
      %dot_general3A_303 = arith.constant dense<0.000000e+00> : vector<128x128xf32>
      %dot_general3A_304 = tpu.matmul %concatenate3A_294, %slice3A_302, %dot_general3A_303 {dimension_numbers = #tpu.dot_dimension_numbers<[1], [0], [0], [1], [0, 0, 1, 1], [], []>, transpose_lhs_hint = false} : vector<128x164xf32>, vector<164x128xf32>, vector<128x128xf32> -> vector<128x128xf32>
      %slice3A_305 = vector.extract_strided_slice %get3A_97 {offsets = [552, 0], sizes = [164, 128], strides = [1, 1]} : vector<1104x128xf32> to vector<164x128xf32>
      %dot_general3A_306 = arith.constant dense<0.000000e+00> : vector<128x128xf32>
      %dot_general3A_307 = tpu.matmul %concatenate3A_295, %slice3A_305, %dot_general3A_306 {dimension_numbers = #tpu.dot_dimension_numbers<[1], [0], [0], [1], [0, 0, 1, 1], [], []>, transpose_lhs_hint = false} : vector<128x164xf32>, vector<164x128xf32>, vector<128x128xf32> -> vector<128x128xf32>
      %slice3A_308 = vector.extract_strided_slice %get3A_29 {offsets = [5, 0], sizes = [1, 128], strides = [1, 1]} : vector<12x128xf32> to vector<1x128xf32>
      %add3A_309 = vector.broadcast %slice3A_308 : vector<1x128xf32> to vector<128x128xf32>
      %add3A_310 = arith.addf %dot_general3A_298, %add3A_309 : vector<128x128xf32>
      %max3A_311 = arith.constant 0.000000e+00 : f32
      %max3A_312 = vector.broadcast %max3A_311 : f32 to vector<128x128xf32>
      %max3A_313 = arith.maximumf %add3A_310, %max3A_312 : vector<128x128xf32>
      %slice3A_314 = vector.extract_strided_slice %get3A_55 {offsets = [5, 0], sizes = [1, 128], strides = [1, 1]} : vector<12x128xf32> to vector<1x128xf32>
      %add3A_315 = vector.broadcast %slice3A_314 : vector<1x128xf32> to vector<128x128xf32>
      %add3A_316 = arith.addf %dot_general3A_301, %add3A_315 : vector<128x128xf32>
      %max3A_317 = arith.constant 0.000000e+00 : f32
      %max3A_318 = vector.broadcast %max3A_317 : f32 to vector<128x128xf32>
      %max3A_319 = arith.maximumf %add3A_316, %max3A_318 : vector<128x128xf32>
      %slice3A_320 = vector.extract_strided_slice %get3A_81 {offsets = [5, 0], sizes = [1, 128], strides = [1, 1]} : vector<12x128xf32> to vector<1x128xf32>
      %add3A_321 = vector.broadcast %slice3A_320 : vector<1x128xf32> to vector<128x128xf32>
      %add3A_322 = arith.addf %dot_general3A_304, %add3A_321 : vector<128x128xf32>
      %max3A_323 = arith.constant 0.000000e+00 : f32
      %max3A_324 = vector.broadcast %max3A_323 : f32 to vector<128x128xf32>
      %max3A_325 = arith.maximumf %add3A_322, %max3A_324 : vector<128x128xf32>
      %slice3A_326 = vector.extract_strided_slice %get3A_107 {offsets = [5, 0], sizes = [1, 128], strides = [1, 1]} : vector<12x128xf32> to vector<1x128xf32>
      %add3A_327 = vector.broadcast %slice3A_326 : vector<1x128xf32> to vector<128x128xf32>
      %add3A_328 = arith.addf %dot_general3A_307, %add3A_327 : vector<128x128xf32>
      %max3A_329 = arith.constant 0.000000e+00 : f32
      %max3A_330 = vector.broadcast %max3A_329 : f32 to vector<128x128xf32>
      %max3A_331 = arith.maximumf %add3A_328, %max3A_330 : vector<128x128xf32>
      %slice3A_332 = vector.extract_strided_slice %get3A_19 {offsets = [720, 0], sizes = [128, 128], strides = [1, 1]} : vector<1104x128xf32> to vector<128x128xf32>
      %dot_general3A_333 = arith.constant dense<0.000000e+00> : vector<128x128xf32>
      %dot_general3A_334 = tpu.matmul %max3A_313, %slice3A_332, %dot_general3A_333 {dimension_numbers = #tpu.dot_dimension_numbers<[1], [0], [0], [1], [0, 0, 1, 1], [], []>, transpose_lhs_hint = false} : vector<128x128xf32>, vector<128x128xf32>, vector<128x128xf32> -> vector<128x128xf32>
      %slice3A_335 = vector.extract_strided_slice %get3A_45 {offsets = [720, 0], sizes = [128, 128], strides = [1, 1]} : vector<1104x128xf32> to vector<128x128xf32>
      %dot_general3A_336 = arith.constant dense<0.000000e+00> : vector<128x128xf32>
      %dot_general3A_337 = tpu.matmul %max3A_319, %slice3A_335, %dot_general3A_336 {dimension_numbers = #tpu.dot_dimension_numbers<[1], [0], [0], [1], [0, 0, 1, 1], [], []>, transpose_lhs_hint = false} : vector<128x128xf32>, vector<128x128xf32>, vector<128x128xf32> -> vector<128x128xf32>
      %slice3A_338 = vector.extract_strided_slice %get3A_71 {offsets = [720, 0], sizes = [128, 128], strides = [1, 1]} : vector<1104x128xf32> to vector<128x128xf32>
      %dot_general3A_339 = arith.constant dense<0.000000e+00> : vector<128x128xf32>
      %dot_general3A_340 = tpu.matmul %max3A_325, %slice3A_338, %dot_general3A_339 {dimension_numbers = #tpu.dot_dimension_numbers<[1], [0], [0], [1], [0, 0, 1, 1], [], []>, transpose_lhs_hint = false} : vector<128x128xf32>, vector<128x128xf32>, vector<128x128xf32> -> vector<128x128xf32>
      %slice3A_341 = vector.extract_strided_slice %get3A_97 {offsets = [720, 0], sizes = [128, 128], strides = [1, 1]} : vector<1104x128xf32> to vector<128x128xf32>
      %dot_general3A_342 = arith.constant dense<0.000000e+00> : vector<128x128xf32>
      %dot_general3A_343 = tpu.matmul %max3A_331, %slice3A_341, %dot_general3A_342 {dimension_numbers = #tpu.dot_dimension_numbers<[1], [0], [0], [1], [0, 0, 1, 1], [], []>, transpose_lhs_hint = false} : vector<128x128xf32>, vector<128x128xf32>, vector<128x128xf32> -> vector<128x128xf32>
      %slice3A_344 = vector.extract_strided_slice %get3A_29 {offsets = [6, 0], sizes = [1, 128], strides = [1, 1]} : vector<12x128xf32> to vector<1x128xf32>
      %add3A_345 = vector.broadcast %slice3A_344 : vector<1x128xf32> to vector<128x128xf32>
      %add3A_346 = arith.addf %dot_general3A_334, %add3A_345 : vector<128x128xf32>
      %max3A_347 = arith.constant 0.000000e+00 : f32
      %max3A_348 = vector.broadcast %max3A_347 : f32 to vector<128x128xf32>
      %max3A_349 = arith.maximumf %add3A_346, %max3A_348 : vector<128x128xf32>
      %slice3A_350 = vector.extract_strided_slice %get3A_55 {offsets = [6, 0], sizes = [1, 128], strides = [1, 1]} : vector<12x128xf32> to vector<1x128xf32>
      %add3A_351 = vector.broadcast %slice3A_350 : vector<1x128xf32> to vector<128x128xf32>
      %add3A_352 = arith.addf %dot_general3A_337, %add3A_351 : vector<128x128xf32>
      %max3A_353 = arith.constant 0.000000e+00 : f32
      %max3A_354 = vector.broadcast %max3A_353 : f32 to vector<128x128xf32>
      %max3A_355 = arith.maximumf %add3A_352, %max3A_354 : vector<128x128xf32>
      %slice3A_356 = vector.extract_strided_slice %get3A_81 {offsets = [6, 0], sizes = [1, 128], strides = [1, 1]} : vector<12x128xf32> to vector<1x128xf32>
      %add3A_357 = vector.broadcast %slice3A_356 : vector<1x128xf32> to vector<128x128xf32>
      %add3A_358 = arith.addf %dot_general3A_340, %add3A_357 : vector<128x128xf32>
      %max3A_359 = arith.constant 0.000000e+00 : f32
      %max3A_360 = vector.broadcast %max3A_359 : f32 to vector<128x128xf32>
      %max3A_361 = arith.maximumf %add3A_358, %max3A_360 : vector<128x128xf32>
      %slice3A_362 = vector.extract_strided_slice %get3A_107 {offsets = [6, 0], sizes = [1, 128], strides = [1, 1]} : vector<12x128xf32> to vector<1x128xf32>
      %add3A_363 = vector.broadcast %slice3A_362 : vector<1x128xf32> to vector<128x128xf32>
      %add3A_364 = arith.addf %dot_general3A_343, %add3A_363 : vector<128x128xf32>
      %max3A_365 = arith.constant 0.000000e+00 : f32
      %max3A_366 = vector.broadcast %max3A_365 : f32 to vector<128x128xf32>
      %max3A_367 = arith.maximumf %add3A_364, %max3A_366 : vector<128x128xf32>
      %slice3A_368 = vector.extract_strided_slice %get3A_19 {offsets = [848, 0], sizes = [128, 128], strides = [1, 1]} : vector<1104x128xf32> to vector<128x128xf32>
      %dot_general3A_369 = arith.constant dense<0.000000e+00> : vector<128x128xf32>
      %dot_general3A_370 = tpu.matmul %max3A_349, %slice3A_368, %dot_general3A_369 {dimension_numbers = #tpu.dot_dimension_numbers<[1], [0], [0], [1], [0, 0, 1, 1], [], []>, transpose_lhs_hint = false} : vector<128x128xf32>, vector<128x128xf32>, vector<128x128xf32> -> vector<128x128xf32>
      %slice3A_371 = vector.extract_strided_slice %get3A_45 {offsets = [848, 0], sizes = [128, 128], strides = [1, 1]} : vector<1104x128xf32> to vector<128x128xf32>
      %dot_general3A_372 = arith.constant dense<0.000000e+00> : vector<128x128xf32>
      %dot_general3A_373 = tpu.matmul %max3A_355, %slice3A_371, %dot_general3A_372 {dimension_numbers = #tpu.dot_dimension_numbers<[1], [0], [0], [1], [0, 0, 1, 1], [], []>, transpose_lhs_hint = false} : vector<128x128xf32>, vector<128x128xf32>, vector<128x128xf32> -> vector<128x128xf32>
      %slice3A_374 = vector.extract_strided_slice %get3A_71 {offsets = [848, 0], sizes = [128, 128], strides = [1, 1]} : vector<1104x128xf32> to vector<128x128xf32>
      %dot_general3A_375 = arith.constant dense<0.000000e+00> : vector<128x128xf32>
      %dot_general3A_376 = tpu.matmul %max3A_361, %slice3A_374, %dot_general3A_375 {dimension_numbers = #tpu.dot_dimension_numbers<[1], [0], [0], [1], [0, 0, 1, 1], [], []>, transpose_lhs_hint = false} : vector<128x128xf32>, vector<128x128xf32>, vector<128x128xf32> -> vector<128x128xf32>
      %slice3A_377 = vector.extract_strided_slice %get3A_97 {offsets = [848, 0], sizes = [128, 128], strides = [1, 1]} : vector<1104x128xf32> to vector<128x128xf32>
      %dot_general3A_378 = arith.constant dense<0.000000e+00> : vector<128x128xf32>
      %dot_general3A_379 = tpu.matmul %max3A_367, %slice3A_377, %dot_general3A_378 {dimension_numbers = #tpu.dot_dimension_numbers<[1], [0], [0], [1], [0, 0, 1, 1], [], []>, transpose_lhs_hint = false} : vector<128x128xf32>, vector<128x128xf32>, vector<128x128xf32> -> vector<128x128xf32>
      %slice3A_380 = vector.extract_strided_slice %get3A_29 {offsets = [7, 0], sizes = [1, 128], strides = [1, 1]} : vector<12x128xf32> to vector<1x128xf32>
      %add3A_381 = vector.broadcast %slice3A_380 : vector<1x128xf32> to vector<128x128xf32>
      %add3A_382 = arith.addf %dot_general3A_370, %add3A_381 : vector<128x128xf32>
      %max3A_383 = arith.constant 0.000000e+00 : f32
      %max3A_384 = vector.broadcast %max3A_383 : f32 to vector<128x128xf32>
      %max3A_385 = arith.maximumf %add3A_382, %max3A_384 : vector<128x128xf32>
      %slice3A_386 = vector.extract_strided_slice %get3A_55 {offsets = [7, 0], sizes = [1, 128], strides = [1, 1]} : vector<12x128xf32> to vector<1x128xf32>
      %add3A_387 = vector.broadcast %slice3A_386 : vector<1x128xf32> to vector<128x128xf32>
      %add3A_388 = arith.addf %dot_general3A_373, %add3A_387 : vector<128x128xf32>
      %max3A_389 = arith.constant 0.000000e+00 : f32
      %max3A_390 = vector.broadcast %max3A_389 : f32 to vector<128x128xf32>
      %max3A_391 = arith.maximumf %add3A_388, %max3A_390 : vector<128x128xf32>
      %slice3A_392 = vector.extract_strided_slice %get3A_81 {offsets = [7, 0], sizes = [1, 128], strides = [1, 1]} : vector<12x128xf32> to vector<1x128xf32>
      %add3A_393 = vector.broadcast %slice3A_392 : vector<1x128xf32> to vector<128x128xf32>
      %add3A_394 = arith.addf %dot_general3A_376, %add3A_393 : vector<128x128xf32>
      %max3A_395 = arith.constant 0.000000e+00 : f32
      %max3A_396 = vector.broadcast %max3A_395 : f32 to vector<128x128xf32>
      %max3A_397 = arith.maximumf %add3A_394, %max3A_396 : vector<128x128xf32>
      %slice3A_398 = vector.extract_strided_slice %get3A_107 {offsets = [7, 0], sizes = [1, 128], strides = [1, 1]} : vector<12x128xf32> to vector<1x128xf32>
      %add3A_399 = vector.broadcast %slice3A_398 : vector<1x128xf32> to vector<128x128xf32>
      %add3A_400 = arith.addf %dot_general3A_379, %add3A_399 : vector<128x128xf32>
      %max3A_401 = arith.constant 0.000000e+00 : f32
      %max3A_402 = vector.broadcast %max3A_401 : f32 to vector<128x128xf32>
      %max3A_403 = arith.maximumf %add3A_400, %max3A_402 : vector<128x128xf32>
      %slice3A_404 = vector.extract_strided_slice %get3A_19 {offsets = [976, 0], sizes = [128, 128], strides = [1, 1]} : vector<1104x128xf32> to vector<128x128xf32>
      %dot_general3A_405 = arith.constant dense<0.000000e+00> : vector<128x128xf32>
      %dot_general3A_406 = tpu.matmul %max3A_385, %slice3A_404, %dot_general3A_405 {dimension_numbers = #tpu.dot_dimension_numbers<[1], [0], [0], [1], [0, 0, 1, 1], [], []>, transpose_lhs_hint = false} : vector<128x128xf32>, vector<128x128xf32>, vector<128x128xf32> -> vector<128x128xf32>
      %slice3A_407 = vector.extract_strided_slice %get3A_29 {offsets = [8, 0], sizes = [1, 128], strides = [1, 1]} : vector<12x128xf32> to vector<1x128xf32>
      %add3A_408 = vector.broadcast %slice3A_407 : vector<1x128xf32> to vector<128x128xf32>
      %add3A_409 = arith.addf %dot_general3A_406, %add3A_408 : vector<128x128xf32>
      %slice3A_410 = vector.extract_strided_slice %get3A_45 {offsets = [976, 0], sizes = [128, 128], strides = [1, 1]} : vector<1104x128xf32> to vector<128x128xf32>
      %dot_general3A_411 = arith.constant dense<0.000000e+00> : vector<128x128xf32>
      %dot_general3A_412 = tpu.matmul %max3A_391, %slice3A_410, %dot_general3A_411 {dimension_numbers = #tpu.dot_dimension_numbers<[1], [0], [0], [1], [0, 0, 1, 1], [], []>, transpose_lhs_hint = false} : vector<128x128xf32>, vector<128x128xf32>, vector<128x128xf32> -> vector<128x128xf32>
      %slice3A_413 = vector.extract_strided_slice %get3A_55 {offsets = [8, 0], sizes = [1, 128], strides = [1, 1]} : vector<12x128xf32> to vector<1x128xf32>
      %add3A_414 = vector.broadcast %slice3A_413 : vector<1x128xf32> to vector<128x128xf32>
      %add3A_415 = arith.addf %dot_general3A_412, %add3A_414 : vector<128x128xf32>
      %slice3A_416 = vector.extract_strided_slice %get3A_71 {offsets = [976, 0], sizes = [128, 128], strides = [1, 1]} : vector<1104x128xf32> to vector<128x128xf32>
      %dot_general3A_417 = arith.constant dense<0.000000e+00> : vector<128x128xf32>
      %dot_general3A_418 = tpu.matmul %max3A_397, %slice3A_416, %dot_general3A_417 {dimension_numbers = #tpu.dot_dimension_numbers<[1], [0], [0], [1], [0, 0, 1, 1], [], []>, transpose_lhs_hint = false} : vector<128x128xf32>, vector<128x128xf32>, vector<128x128xf32> -> vector<128x128xf32>
      %slice3A_419 = vector.extract_strided_slice %get3A_81 {offsets = [8, 0], sizes = [1, 128], strides = [1, 1]} : vector<12x128xf32> to vector<1x128xf32>
      %add3A_420 = vector.broadcast %slice3A_419 : vector<1x128xf32> to vector<128x128xf32>
      %add3A_421 = arith.addf %dot_general3A_418, %add3A_420 : vector<128x128xf32>
      %slice3A_422 = vector.extract_strided_slice %get3A_97 {offsets = [976, 0], sizes = [128, 128], strides = [1, 1]} : vector<1104x128xf32> to vector<128x128xf32>
      %dot_general3A_423 = arith.constant dense<0.000000e+00> : vector<128x128xf32>
      %dot_general3A_424 = tpu.matmul %max3A_403, %slice3A_422, %dot_general3A_423 {dimension_numbers = #tpu.dot_dimension_numbers<[1], [0], [0], [1], [0, 0, 1, 1], [], []>, transpose_lhs_hint = false} : vector<128x128xf32>, vector<128x128xf32>, vector<128x128xf32> -> vector<128x128xf32>
      %slice3A_425 = vector.extract_strided_slice %get3A_107 {offsets = [8, 0], sizes = [1, 128], strides = [1, 1]} : vector<12x128xf32> to vector<1x128xf32>
      %add3A_426 = vector.broadcast %slice3A_425 : vector<1x128xf32> to vector<128x128xf32>
      %add3A_427 = arith.addf %dot_general3A_424, %add3A_426 : vector<128x128xf32>
      %slice3A_428 = vector.extract_strided_slice %get3A_24 {offsets = [216, 0], sizes = [128, 1], strides = [1, 1]} : vector<344x64xf32> to vector<128x1xf32>
      %dot_general3A_429 = arith.constant dense<0.000000e+00> : vector<128x1xf32>
      %dot_general3A_430 = tpu.matmul %max3A_385, %slice3A_428, %dot_general3A_429 {dimension_numbers = #tpu.dot_dimension_numbers<[1], [0], [0], [1], [0, 0, 1, 1], [], []>, transpose_lhs_hint = false} : vector<128x128xf32>, vector<128x1xf32>, vector<128x1xf32> -> vector<128x1xf32>
      %slice3A_431 = vector.extract_strided_slice %get3A_29 {offsets = [9, 0], sizes = [1, 1], strides = [1, 1]} : vector<12x128xf32> to vector<1x1xf32>
      %add3A_432 = vector.broadcast %slice3A_431 : vector<1x1xf32> to vector<128x1xf32>
      %add3A_433 = arith.addf %dot_general3A_430, %add3A_432 : vector<128x1xf32>
      %slice3A_434 = vector.extract_strided_slice %get3A_50 {offsets = [216, 0], sizes = [128, 1], strides = [1, 1]} : vector<344x64xf32> to vector<128x1xf32>
      %dot_general3A_435 = arith.constant dense<0.000000e+00> : vector<128x1xf32>
      %dot_general3A_436 = tpu.matmul %max3A_391, %slice3A_434, %dot_general3A_435 {dimension_numbers = #tpu.dot_dimension_numbers<[1], [0], [0], [1], [0, 0, 1, 1], [], []>, transpose_lhs_hint = false} : vector<128x128xf32>, vector<128x1xf32>, vector<128x1xf32> -> vector<128x1xf32>
      %slice3A_437 = vector.extract_strided_slice %get3A_55 {offsets = [9, 0], sizes = [1, 1], strides = [1, 1]} : vector<12x128xf32> to vector<1x1xf32>
      %add3A_438 = vector.broadcast %slice3A_437 : vector<1x1xf32> to vector<128x1xf32>
      %add3A_439 = arith.addf %dot_general3A_436, %add3A_438 : vector<128x1xf32>
      %slice3A_440 = vector.extract_strided_slice %get3A_76 {offsets = [216, 0], sizes = [128, 1], strides = [1, 1]} : vector<344x64xf32> to vector<128x1xf32>
      %dot_general3A_441 = arith.constant dense<0.000000e+00> : vector<128x1xf32>
      %dot_general3A_442 = tpu.matmul %max3A_397, %slice3A_440, %dot_general3A_441 {dimension_numbers = #tpu.dot_dimension_numbers<[1], [0], [0], [1], [0, 0, 1, 1], [], []>, transpose_lhs_hint = false} : vector<128x128xf32>, vector<128x1xf32>, vector<128x1xf32> -> vector<128x1xf32>
      %slice3A_443 = vector.extract_strided_slice %get3A_81 {offsets = [9, 0], sizes = [1, 1], strides = [1, 1]} : vector<12x128xf32> to vector<1x1xf32>
      %add3A_444 = vector.broadcast %slice3A_443 : vector<1x1xf32> to vector<128x1xf32>
      %add3A_445 = arith.addf %dot_general3A_442, %add3A_444 : vector<128x1xf32>
      %slice3A_446 = vector.extract_strided_slice %get3A_102 {offsets = [216, 0], sizes = [128, 1], strides = [1, 1]} : vector<344x64xf32> to vector<128x1xf32>
      %dot_general3A_447 = arith.constant dense<0.000000e+00> : vector<128x1xf32>
      %dot_general3A_448 = tpu.matmul %max3A_403, %slice3A_446, %dot_general3A_447 {dimension_numbers = #tpu.dot_dimension_numbers<[1], [0], [0], [1], [0, 0, 1, 1], [], []>, transpose_lhs_hint = false} : vector<128x128xf32>, vector<128x1xf32>, vector<128x1xf32> -> vector<128x1xf32>
      %slice3A_449 = vector.extract_strided_slice %get3A_107 {offsets = [9, 0], sizes = [1, 1], strides = [1, 1]} : vector<12x128xf32> to vector<1x1xf32>
      %add3A_450 = vector.broadcast %slice3A_449 : vector<1x1xf32> to vector<128x1xf32>
      %add3A_451 = arith.addf %dot_general3A_448, %add3A_450 : vector<128x1xf32>
      %concatenate3A_452 = tpu.concatenate %add3A_409, %slice3A_111 in 1 : vector<128x128xf32>, vector<128x24xf32> -> vector<128x152xf32>
      %concatenate3A_453 = tpu.concatenate %add3A_415, %slice3A_112 in 1 : vector<128x128xf32>, vector<128x24xf32> -> vector<128x152xf32>
      %concatenate3A_454 = tpu.concatenate %add3A_421, %slice3A_113 in 1 : vector<128x128xf32>, vector<128x24xf32> -> vector<128x152xf32>
      %concatenate3A_455 = tpu.concatenate %add3A_427, %slice3A_114 in 1 : vector<128x128xf32>, vector<128x24xf32> -> vector<128x152xf32>
      %slice3A_456 = vector.extract_strided_slice %get3A_24 {offsets = [0, 0], sizes = [152, 64], strides = [1, 1]} : vector<344x64xf32> to vector<152x64xf32>
      %dot_general3A_457 = arith.constant dense<0.000000e+00> : vector<128x64xf32>
      %dot_general3A_458 = tpu.matmul %concatenate3A_452, %slice3A_456, %dot_general3A_457 {dimension_numbers = #tpu.dot_dimension_numbers<[1], [0], [0], [1], [0, 0, 1, 1], [], []>, transpose_lhs_hint = false} : vector<128x152xf32>, vector<152x64xf32>, vector<128x64xf32> -> vector<128x64xf32>
      %slice3A_459 = vector.extract_strided_slice %get3A_29 {offsets = [10, 0], sizes = [1, 64], strides = [1, 1]} : vector<12x128xf32> to vector<1x64xf32>
      %add3A_460 = vector.broadcast %slice3A_459 : vector<1x64xf32> to vector<128x64xf32>
      %add3A_461 = arith.addf %dot_general3A_458, %add3A_460 : vector<128x64xf32>
      %max3A_462 = arith.constant 0.000000e+00 : f32
      %max3A_463 = vector.broadcast %max3A_462 : f32 to vector<128x64xf32>
      %max3A_464 = arith.maximumf %add3A_461, %max3A_463 : vector<128x64xf32>
      %slice3A_465 = vector.extract_strided_slice %get3A_50 {offsets = [0, 0], sizes = [152, 64], strides = [1, 1]} : vector<344x64xf32> to vector<152x64xf32>
      %dot_general3A_466 = arith.constant dense<0.000000e+00> : vector<128x64xf32>
      %dot_general3A_467 = tpu.matmul %concatenate3A_453, %slice3A_465, %dot_general3A_466 {dimension_numbers = #tpu.dot_dimension_numbers<[1], [0], [0], [1], [0, 0, 1, 1], [], []>, transpose_lhs_hint = false} : vector<128x152xf32>, vector<152x64xf32>, vector<128x64xf32> -> vector<128x64xf32>
      %slice3A_468 = vector.extract_strided_slice %get3A_55 {offsets = [10, 0], sizes = [1, 64], strides = [1, 1]} : vector<12x128xf32> to vector<1x64xf32>
      %add3A_469 = vector.broadcast %slice3A_468 : vector<1x64xf32> to vector<128x64xf32>
      %add3A_470 = arith.addf %dot_general3A_467, %add3A_469 : vector<128x64xf32>
      %max3A_471 = arith.constant 0.000000e+00 : f32
      %max3A_472 = vector.broadcast %max3A_471 : f32 to vector<128x64xf32>
      %max3A_473 = arith.maximumf %add3A_470, %max3A_472 : vector<128x64xf32>
      %slice3A_474 = vector.extract_strided_slice %get3A_76 {offsets = [0, 0], sizes = [152, 64], strides = [1, 1]} : vector<344x64xf32> to vector<152x64xf32>
      %dot_general3A_475 = arith.constant dense<0.000000e+00> : vector<128x64xf32>
      %dot_general3A_476 = tpu.matmul %concatenate3A_454, %slice3A_474, %dot_general3A_475 {dimension_numbers = #tpu.dot_dimension_numbers<[1], [0], [0], [1], [0, 0, 1, 1], [], []>, transpose_lhs_hint = false} : vector<128x152xf32>, vector<152x64xf32>, vector<128x64xf32> -> vector<128x64xf32>
      %slice3A_477 = vector.extract_strided_slice %get3A_81 {offsets = [10, 0], sizes = [1, 64], strides = [1, 1]} : vector<12x128xf32> to vector<1x64xf32>
      %add3A_478 = vector.broadcast %slice3A_477 : vector<1x64xf32> to vector<128x64xf32>
      %add3A_479 = arith.addf %dot_general3A_476, %add3A_478 : vector<128x64xf32>
      %max3A_480 = arith.constant 0.000000e+00 : f32
      %max3A_481 = vector.broadcast %max3A_480 : f32 to vector<128x64xf32>
      %max3A_482 = arith.maximumf %add3A_479, %max3A_481 : vector<128x64xf32>
      %slice3A_483 = vector.extract_strided_slice %get3A_102 {offsets = [0, 0], sizes = [152, 64], strides = [1, 1]} : vector<344x64xf32> to vector<152x64xf32>
      %dot_general3A_484 = arith.constant dense<0.000000e+00> : vector<128x64xf32>
      %dot_general3A_485 = tpu.matmul %concatenate3A_455, %slice3A_483, %dot_general3A_484 {dimension_numbers = #tpu.dot_dimension_numbers<[1], [0], [0], [1], [0, 0, 1, 1], [], []>, transpose_lhs_hint = false} : vector<128x152xf32>, vector<152x64xf32>, vector<128x64xf32> -> vector<128x64xf32>
      %slice3A_486 = vector.extract_strided_slice %get3A_107 {offsets = [10, 0], sizes = [1, 64], strides = [1, 1]} : vector<12x128xf32> to vector<1x64xf32>
      %add3A_487 = vector.broadcast %slice3A_486 : vector<1x64xf32> to vector<128x64xf32>
      %add3A_488 = arith.addf %dot_general3A_485, %add3A_487 : vector<128x64xf32>
      %max3A_489 = arith.constant 0.000000e+00 : f32
      %max3A_490 = vector.broadcast %max3A_489 : f32 to vector<128x64xf32>
      %max3A_491 = arith.maximumf %add3A_488, %max3A_490 : vector<128x64xf32>
      %slice3A_492 = vector.extract_strided_slice %get3A_24 {offsets = [152, 0], sizes = [64, 3], strides = [1, 1]} : vector<344x64xf32> to vector<64x3xf32>
      %dot_general3A_493 = arith.constant dense<0.000000e+00> : vector<128x3xf32>
      %dot_general3A_494 = tpu.matmul %max3A_464, %slice3A_492, %dot_general3A_493 {dimension_numbers = #tpu.dot_dimension_numbers<[1], [0], [0], [1], [0, 0, 1, 1], [], []>, transpose_lhs_hint = false} : vector<128x64xf32>, vector<64x3xf32>, vector<128x3xf32> -> vector<128x3xf32>
      %slice3A_495 = vector.extract_strided_slice %get3A_29 {offsets = [11, 0], sizes = [1, 3], strides = [1, 1]} : vector<12x128xf32> to vector<1x3xf32>
      %add3A_496 = vector.broadcast %slice3A_495 : vector<1x3xf32> to vector<128x3xf32>
      %add3A_497 = arith.addf %dot_general3A_494, %add3A_496 : vector<128x3xf32>
      %logistic3A = arith.negf %add3A_497 : vector<128x3xf32>
      %logistic3A_498 = math.exp %logistic3A : vector<128x3xf32>
      %logistic3A_499 = arith.constant 1.000000e+00 : f32
      %logistic3A_500 = vector.broadcast %logistic3A_499 : f32 to vector<128x3xf32>
      %logistic3A_501 = arith.addf %logistic3A_500, %logistic3A_498 : vector<128x3xf32>
      %logistic3A_502 = arith.divf %logistic3A_500, %logistic3A_501 : vector<128x3xf32>
      %slice3A_503 = vector.extract_strided_slice %get3A_50 {offsets = [152, 0], sizes = [64, 3], strides = [1, 1]} : vector<344x64xf32> to vector<64x3xf32>
      %dot_general3A_504 = arith.constant dense<0.000000e+00> : vector<128x3xf32>
      %dot_general3A_505 = tpu.matmul %max3A_473, %slice3A_503, %dot_general3A_504 {dimension_numbers = #tpu.dot_dimension_numbers<[1], [0], [0], [1], [0, 0, 1, 1], [], []>, transpose_lhs_hint = false} : vector<128x64xf32>, vector<64x3xf32>, vector<128x3xf32> -> vector<128x3xf32>
      %slice3A_506 = vector.extract_strided_slice %get3A_55 {offsets = [11, 0], sizes = [1, 3], strides = [1, 1]} : vector<12x128xf32> to vector<1x3xf32>
      %add3A_507 = vector.broadcast %slice3A_506 : vector<1x3xf32> to vector<128x3xf32>
      %add3A_508 = arith.addf %dot_general3A_505, %add3A_507 : vector<128x3xf32>
      %logistic3A_509 = arith.negf %add3A_508 : vector<128x3xf32>
      %logistic3A_510 = math.exp %logistic3A_509 : vector<128x3xf32>
      %logistic3A_511 = arith.constant 1.000000e+00 : f32
      %logistic3A_512 = vector.broadcast %logistic3A_511 : f32 to vector<128x3xf32>
      %logistic3A_513 = arith.addf %logistic3A_512, %logistic3A_510 : vector<128x3xf32>
      %logistic3A_514 = arith.divf %logistic3A_512, %logistic3A_513 : vector<128x3xf32>
      %slice3A_515 = vector.extract_strided_slice %get3A_76 {offsets = [152, 0], sizes = [64, 3], strides = [1, 1]} : vector<344x64xf32> to vector<64x3xf32>
      %dot_general3A_516 = arith.constant dense<0.000000e+00> : vector<128x3xf32>
      %dot_general3A_517 = tpu.matmul %max3A_482, %slice3A_515, %dot_general3A_516 {dimension_numbers = #tpu.dot_dimension_numbers<[1], [0], [0], [1], [0, 0, 1, 1], [], []>, transpose_lhs_hint = false} : vector<128x64xf32>, vector<64x3xf32>, vector<128x3xf32> -> vector<128x3xf32>
      %slice3A_518 = vector.extract_strided_slice %get3A_81 {offsets = [11, 0], sizes = [1, 3], strides = [1, 1]} : vector<12x128xf32> to vector<1x3xf32>
      %add3A_519 = vector.broadcast %slice3A_518 : vector<1x3xf32> to vector<128x3xf32>
      %add3A_520 = arith.addf %dot_general3A_517, %add3A_519 : vector<128x3xf32>
      %logistic3A_521 = arith.negf %add3A_520 : vector<128x3xf32>
      %logistic3A_522 = math.exp %logistic3A_521 : vector<128x3xf32>
      %logistic3A_523 = arith.constant 1.000000e+00 : f32
      %logistic3A_524 = vector.broadcast %logistic3A_523 : f32 to vector<128x3xf32>
      %logistic3A_525 = arith.addf %logistic3A_524, %logistic3A_522 : vector<128x3xf32>
      %logistic3A_526 = arith.divf %logistic3A_524, %logistic3A_525 : vector<128x3xf32>
      %slice3A_527 = vector.extract_strided_slice %get3A_102 {offsets = [152, 0], sizes = [64, 3], strides = [1, 1]} : vector<344x64xf32> to vector<64x3xf32>
      %dot_general3A_528 = arith.constant dense<0.000000e+00> : vector<128x3xf32>
      %dot_general3A_529 = tpu.matmul %max3A_491, %slice3A_527, %dot_general3A_528 {dimension_numbers = #tpu.dot_dimension_numbers<[1], [0], [0], [1], [0, 0, 1, 1], [], []>, transpose_lhs_hint = false} : vector<128x64xf32>, vector<64x3xf32>, vector<128x3xf32> -> vector<128x3xf32>
      %slice3A_530 = vector.extract_strided_slice %get3A_107 {offsets = [11, 0], sizes = [1, 3], strides = [1, 1]} : vector<12x128xf32> to vector<1x3xf32>
      %add3A_531 = vector.broadcast %slice3A_530 : vector<1x3xf32> to vector<128x3xf32>
      %add3A_532 = arith.addf %dot_general3A_529, %add3A_531 : vector<128x3xf32>
      %logistic3A_533 = arith.negf %add3A_532 : vector<128x3xf32>
      %logistic3A_534 = math.exp %logistic3A_533 : vector<128x3xf32>
      %logistic3A_535 = arith.constant 1.000000e+00 : f32
      %logistic3A_536 = vector.broadcast %logistic3A_535 : f32 to vector<128x3xf32>
      %logistic3A_537 = arith.addf %logistic3A_536, %logistic3A_534 : vector<128x3xf32>
      %logistic3A_538 = arith.divf %logistic3A_536, %logistic3A_537 : vector<128x3xf32>
      %concatenate3A_539 = tpu.concatenate %add3A_433, %logistic3A_502 in 1 : vector<128x1xf32>, vector<128x3xf32> -> vector<128x4xf32>
      %concatenate3A_540 = tpu.concatenate %add3A_439, %logistic3A_514 in 1 : vector<128x1xf32>, vector<128x3xf32> -> vector<128x4xf32>
      %concatenate3A_541 = tpu.concatenate %add3A_445, %logistic3A_526 in 1 : vector<128x1xf32>, vector<128x3xf32> -> vector<128x4xf32>
      %concatenate3A_542 = tpu.concatenate %add3A_451, %logistic3A_538 in 1 : vector<128x1xf32>, vector<128x3xf32> -> vector<128x4xf32>
      %swap3A = arith.constant 0 : index
      %swap3A_543 = arith.constant 0 : index
      %swap3A_544 = vector.load %arg15[%swap3A, %swap3A_543] : memref<512x4xf32, #tpu.memory_space<vmem>>, vector<128x4xf32>
      tpu.vector_store %arg15[%swap3A, %swap3A_543], %concatenate3A_539 {strides = array<i32>} : memref<512x4xf32, #tpu.memory_space<vmem>>, vector<128x4xf32>,
      %swap3A_545 = arith.constant 128 : index
      %swap3A_546 = arith.constant 0 : index
      %swap3A_547 = vector.load %arg15[%swap3A_545, %swap3A_546] : memref<512x4xf32, #tpu.memory_space<vmem>>, vector<128x4xf32>
      tpu.vector_store %arg15[%swap3A_545, %swap3A_546], %concatenate3A_540 {strides = array<i32>} : memref<512x4xf32, #tpu.memory_space<vmem>>, vector<128x4xf32>,
      %swap3A_548 = arith.constant 256 : index
      %swap3A_549 = arith.constant 0 : index
      %swap3A_550 = vector.load %arg15[%swap3A_548, %swap3A_549] : memref<512x4xf32, #tpu.memory_space<vmem>>, vector<128x4xf32>
      tpu.vector_store %arg15[%swap3A_548, %swap3A_549], %concatenate3A_541 {strides = array<i32>} : memref<512x4xf32, #tpu.memory_space<vmem>>, vector<128x4xf32>,
      %swap3A_551 = arith.constant 384 : index
      %swap3A_552 = arith.constant 0 : index
      %swap3A_553 = vector.load %arg15[%swap3A_551, %swap3A_552] : memref<512x4xf32, #tpu.memory_space<vmem>>, vector<128x4xf32>
      tpu.vector_store %arg15[%swap3A_551, %swap3A_552], %concatenate3A_542 {strides = array<i32>} : memref<512x4xf32, #tpu.memory_space<vmem>>, vector<128x4xf32>,
    } else {
    }
    return
  }
  func.func @transform_0(%arg0: i32, %arg1: memref<265xi32, #tpu.memory_space<smem>>) -> (i32, i32) {
    %c0_i32 = arith.constant 0 : i32
    %c0_i32_0 = arith.constant 0 : i32
    %c0_i32_1 = arith.constant 0 : i32
    return %c0_i32, %c0_i32_0 : i32, i32
  }
  func.func @transform_1(%arg0: i32, %arg1: memref<265xi32, #tpu.memory_space<smem>>) -> (i32, i32, i32) {
    %mul3A = arith.constant 4 : i32
    %mul3A_0 = arith.muli %mul3A, %arg0 : i32
    %add3A = arith.constant 0 : i32
    %add3A_1 = arith.addi %mul3A_0, %add3A : i32
    %get3A = arith.index_cast %add3A_1 : i32 to index
    %get3A_2 = memref.load %arg1[%get3A] : memref<265xi32, #tpu.memory_space<smem>>
    %c0_i32 = arith.constant 0 : i32
    %c0_i32_3 = arith.constant 0 : i32
    %c0_i32_4 = arith.constant 0 : i32
    return %get3A_2, %c0_i32, %c0_i32_3 : i32, i32, i32
  }
  func.func @transform_2(%arg0: i32, %arg1: memref<265xi32, #tpu.memory_space<smem>>) -> (i32, i32, i32) {
    %mul3A = arith.constant 4 : i32
    %mul3A_0 = arith.muli %mul3A, %arg0 : i32
    %add3A = arith.constant 0 : i32
    %add3A_1 = arith.addi %mul3A_0, %add3A : i32
    %get3A = arith.index_cast %add3A_1 : i32 to index
    %get3A_2 = memref.load %arg1[%get3A] : memref<265xi32, #tpu.memory_space<smem>>
    %c0_i32 = arith.constant 0 : i32
    %c0_i32_3 = arith.constant 0 : i32
    %c0_i32_4 = arith.constant 0 : i32
    return %get3A_2, %c0_i32, %c0_i32_3 : i32, i32, i32
  }
  func.func @transform_3(%arg0: i32, %arg1: memref<265xi32, #tpu.memory_space<smem>>) -> (i32, i32, i32) {
    %mul3A = arith.constant 4 : i32
    %mul3A_0 = arith.muli %mul3A, %arg0 : i32
    %add3A = arith.constant 0 : i32
    %add3A_1 = arith.addi %mul3A_0, %add3A : i32
    %get3A = arith.index_cast %add3A_1 : i32 to index
    %get3A_2 = memref.load %arg1[%get3A] : memref<265xi32, #tpu.memory_space<smem>>
    %c0_i32 = arith.constant 0 : i32
    %c0_i32_3 = arith.constant 0 : i32
    %c0_i32_4 = arith.constant 0 : i32
    return %get3A_2, %c0_i32, %c0_i32_3 : i32, i32, i32
  }
  func.func @transform_4(%arg0: i32, %arg1: memref<265xi32, #tpu.memory_space<smem>>) -> (i32, i32, i32) {
    %mul3A = arith.constant 4 : i32
    %mul3A_0 = arith.muli %mul3A, %arg0 : i32
    %add3A = arith.constant 1 : i32
    %add3A_1 = arith.addi %mul3A_0, %add3A : i32
    %get3A = arith.index_cast %add3A_1 : i32 to index
    %get3A_2 = memref.load %arg1[%get3A] : memref<265xi32, #tpu.memory_space<smem>>
    %c0_i32 = arith.constant 0 : i32
    %c0_i32_3 = arith.constant 0 : i32
    %c0_i32_4 = arith.constant 0 : i32
    return %get3A_2, %c0_i32, %c0_i32_3 : i32, i32, i32
  }
  func.func @transform_5(%arg0: i32, %arg1: memref<265xi32, #tpu.memory_space<smem>>) -> (i32, i32, i32) {
    %mul3A = arith.constant 4 : i32
    %mul3A_0 = arith.muli %mul3A, %arg0 : i32
    %add3A = arith.constant 1 : i32
    %add3A_1 = arith.addi %mul3A_0, %add3A : i32
    %get3A = arith.index_cast %add3A_1 : i32 to index
    %get3A_2 = memref.load %arg1[%get3A] : memref<265xi32, #tpu.memory_space<smem>>
    %c0_i32 = arith.constant 0 : i32
    %c0_i32_3 = arith.constant 0 : i32
    %c0_i32_4 = arith.constant 0 : i32
    return %get3A_2, %c0_i32, %c0_i32_3 : i32, i32, i32
  }
  func.func @transform_6(%arg0: i32, %arg1: memref<265xi32, #tpu.memory_space<smem>>) -> (i32, i32, i32) {
    %mul3A = arith.constant 4 : i32
    %mul3A_0 = arith.muli %mul3A, %arg0 : i32
    %add3A = arith.constant 1 : i32
    %add3A_1 = arith.addi %mul3A_0, %add3A : i32
    %get3A = arith.index_cast %add3A_1 : i32 to index
    %get3A_2 = memref.load %arg1[%get3A] : memref<265xi32, #tpu.memory_space<smem>>
    %c0_i32 = arith.constant 0 : i32
    %c0_i32_3 = arith.constant 0 : i32
    %c0_i32_4 = arith.constant 0 : i32
    return %get3A_2, %c0_i32, %c0_i32_3 : i32, i32, i32
  }
  func.func @transform_7(%arg0: i32, %arg1: memref<265xi32, #tpu.memory_space<smem>>) -> (i32, i32, i32) {
    %mul3A = arith.constant 4 : i32
    %mul3A_0 = arith.muli %mul3A, %arg0 : i32
    %add3A = arith.constant 2 : i32
    %add3A_1 = arith.addi %mul3A_0, %add3A : i32
    %get3A = arith.index_cast %add3A_1 : i32 to index
    %get3A_2 = memref.load %arg1[%get3A] : memref<265xi32, #tpu.memory_space<smem>>
    %c0_i32 = arith.constant 0 : i32
    %c0_i32_3 = arith.constant 0 : i32
    %c0_i32_4 = arith.constant 0 : i32
    return %get3A_2, %c0_i32, %c0_i32_3 : i32, i32, i32
  }
  func.func @transform_8(%arg0: i32, %arg1: memref<265xi32, #tpu.memory_space<smem>>) -> (i32, i32, i32) {
    %mul3A = arith.constant 4 : i32
    %mul3A_0 = arith.muli %mul3A, %arg0 : i32
    %add3A = arith.constant 2 : i32
    %add3A_1 = arith.addi %mul3A_0, %add3A : i32
    %get3A = arith.index_cast %add3A_1 : i32 to index
    %get3A_2 = memref.load %arg1[%get3A] : memref<265xi32, #tpu.memory_space<smem>>
    %c0_i32 = arith.constant 0 : i32
    %c0_i32_3 = arith.constant 0 : i32
    %c0_i32_4 = arith.constant 0 : i32
    return %get3A_2, %c0_i32, %c0_i32_3 : i32, i32, i32
  }
  func.func @transform_9(%arg0: i32, %arg1: memref<265xi32, #tpu.memory_space<smem>>) -> (i32, i32, i32) {
    %mul3A = arith.constant 4 : i32
    %mul3A_0 = arith.muli %mul3A, %arg0 : i32
    %add3A = arith.constant 2 : i32
    %add3A_1 = arith.addi %mul3A_0, %add3A : i32
    %get3A = arith.index_cast %add3A_1 : i32 to index
    %get3A_2 = memref.load %arg1[%get3A] : memref<265xi32, #tpu.memory_space<smem>>
    %c0_i32 = arith.constant 0 : i32
    %c0_i32_3 = arith.constant 0 : i32
    %c0_i32_4 = arith.constant 0 : i32
    return %get3A_2, %c0_i32, %c0_i32_3 : i32, i32, i32
  }
  func.func @transform_10(%arg0: i32, %arg1: memref<265xi32, #tpu.memory_space<smem>>) -> (i32, i32, i32) {
    %mul3A = arith.constant 4 : i32
    %mul3A_0 = arith.muli %mul3A, %arg0 : i32
    %add3A = arith.constant 3 : i32
    %add3A_1 = arith.addi %mul3A_0, %add3A : i32
    %get3A = arith.index_cast %add3A_1 : i32 to index
    %get3A_2 = memref.load %arg1[%get3A] : memref<265xi32, #tpu.memory_space<smem>>
    %c0_i32 = arith.constant 0 : i32
    %c0_i32_3 = arith.constant 0 : i32
    %c0_i32_4 = arith.constant 0 : i32
    return %get3A_2, %c0_i32, %c0_i32_3 : i32, i32, i32
  }
  func.func @transform_11(%arg0: i32, %arg1: memref<265xi32, #tpu.memory_space<smem>>) -> (i32, i32, i32) {
    %mul3A = arith.constant 4 : i32
    %mul3A_0 = arith.muli %mul3A, %arg0 : i32
    %add3A = arith.constant 3 : i32
    %add3A_1 = arith.addi %mul3A_0, %add3A : i32
    %get3A = arith.index_cast %add3A_1 : i32 to index
    %get3A_2 = memref.load %arg1[%get3A] : memref<265xi32, #tpu.memory_space<smem>>
    %c0_i32 = arith.constant 0 : i32
    %c0_i32_3 = arith.constant 0 : i32
    %c0_i32_4 = arith.constant 0 : i32
    return %get3A_2, %c0_i32, %c0_i32_3 : i32, i32, i32
  }
  func.func @transform_12(%arg0: i32, %arg1: memref<265xi32, #tpu.memory_space<smem>>) -> (i32, i32, i32) {
    %mul3A = arith.constant 4 : i32
    %mul3A_0 = arith.muli %mul3A, %arg0 : i32
    %add3A = arith.constant 3 : i32
    %add3A_1 = arith.addi %mul3A_0, %add3A : i32
    %get3A = arith.index_cast %add3A_1 : i32 to index
    %get3A_2 = memref.load %arg1[%get3A] : memref<265xi32, #tpu.memory_space<smem>>
    %c0_i32 = arith.constant 0 : i32
    %c0_i32_3 = arith.constant 0 : i32
    %c0_i32_4 = arith.constant 0 : i32
    return %get3A_2, %c0_i32, %c0_i32_3 : i32, i32, i32
  }
  func.func @transform_13(%arg0: i32, %arg1: memref<265xi32, #tpu.memory_space<smem>>) -> (i32, i32) {
    %c0_i32 = arith.constant 0 : i32
    %c0_i32_0 = arith.constant 0 : i32
    return %arg0, %c0_i32 : i32, i32
  }
}

</mosaic_0001>

<sc_bundles>
// kernel: gather_offload_async_start.1
scs
__scs_entry_jumppad:
0x0: {  	(pc) =	sbr.rel $0x88, $3  }
0x1: {  	(tag) =	ssettag $0x0;
	lr =	simm.s32 $0x1  }
0x2: {  	[smem:$0x3F86] =	sst lr;
	_ =	strace $0xD0000000  }
0x3: {  	_ = 	snop  }
0x4: {  	_ = 	snop  }
0x5: {  	_ = 	snop  }
0x6: {  	_ = 	snop  }
0x7: {  	_ = 	snop  }
__scs_overlays_trampoline_lowered:
0x8: {  	[smem:$0x3F95] =	sst s0  }
0x9: {  	[smem:$0x3F96] =	sst s1  }
0xa: {  	[smem:$0x3F97] =	sst s2  }
0xb: {  	[smem:$0x3F98] =	sst s3  }
0xc: {  	[smem:$0x3F99] =	sst s4  }
0xd: {  	[smem:$0x3F9A] =	sst s5  }
0xe: {  	[smem:$0x3F9B] =	sst s6  }
0xf: {  	[smem:$0x3F9C] =	sst s7  }
0x10: {  	[smem:$0x3F9D] =	sst s8  }
0x11: {  	[smem:$0x3F9E] =	sst s9;
	s0 =	simm.s32 @!p0 $0x0  }
0x12: {  	s1 =	sld [smem:$0x3F84];
	s0 =	simm.s32 @p0 $0x1  }
0x13: {  	[smem:$0x3F9F] =	sst s0;
	s0 =	simm.s32 @!p1 $0x0  }
0x14: {  	s2 =	sld [smem:$0x3F83];
	s0 =	simm.s32 @p1 $0x1  }
0x15: {  	[smem:$0x3FA0] =	sst s0;
	s0 =	simm.s32 @!p2 $0x0  }
0x16: {  	s3 =	sld [smem:$0x3FDB];
	s0 =	simm.s32 @p2 $0x1  }
0x17: {  	s4 =	simm.s32 $0x1BF5;
	[smem:$0x3FA2] =	sst s0  }
0x18: {  	s0 =	sld [smem:$0x3F85];
	_ =	swait.ge [sflag:s4], $0x0  }
0x19: {  	s7 =	sld [smem:$0x3F86]  }
0x1a: {  	s8 =	sadd.s32 $0xFFFFE003, lr  }
0x1b: {  	s9 =	sadd.s32 $0xFFFFFEF7, lr;
	s5 =	simm.s32 $0xFFFFFFFF;
	p2 =	slt.u32 s8, $0xFFFFF086  }
0x1c: {  	p1 =	slt.u32 s9, $0xF7A;
	s5 =	simm.s32 @!p2 $0x0  }
0x1d: {  	s5 =	simm.s32 @p1 $0x1;
	p0 =	seq.s32 s7, s2  }
0x1e: {  	s7 =	smul.u32 @!p0 $0xF7A, s2;
	p2 =	seq.s32 @!p0 s5, $0x0  }
0x1f: {  	s9 =	smul.u32 $0xF7A, s1;
	s8 =	simm.s32 @!p0 $0x1BF5;
	p2 =	por !p2, p0  }
0x20: {  	[sflag:s8] =	ssyncset.s32 @!p0 $0xFFFFF086;
	s6 =	sadd.s32 @!p0 s3, s7;
	s7 =	simm.s32 @!p0 $0x108  }
0x21: {  	s3 =	sadd.s32 s3, s9;
	s6 =	sadd.s32 @!p0 $0x88, s6;
	s7 =	simm.s32 @p2 $0x1082  }
0x22: {  	[simem:s7], [sflag:s8] =	dma.local @!p0 [hbm:s6], $0xF7A  }
0x23: {  	s9 =	sor.u32 $0xD0000000, s2;
	s6 =	simm.s32 $0x108;
	_ =	swait.ge @!p0 [sflag:s8], $0x0  }
0x24: {  	s3 =	sadd.s32 $0x88, s3;
	s6 =	simm.s32 @!p1 $0x1082;
	[sflag:s4] =	ssyncset.s32 $0xFFFFF086  }
0x25: {  	[simem:s6], [sflag:s4] =	dma.local [hbm:s3], $0xF7A  }
0x26: {  	[smem:$0x3F86] =	sst s1;
	(tag) =	ssettag s2;
	_ =	strace s9  }
0x27: {  	s1 =	sld [smem:$0x3F96]  }
0x28: {  	s2 =	sld [smem:$0x3F97]  }
0x29: {  	s4 =	sld [smem:$0x3F99]  }
0x2a: {  	p0 =	seq.s32 s5, $0x0;
	s5 =	sld [smem:$0x3F9A]  }
0x2b: {  	s6 =	sld [smem:$0x3F9B]  }
0x2c: {  	s7 =	sld [smem:$0x3F9C]  }
0x2d: {  	s3 =	simm.s32 $0x108;
	s8 =	sld [smem:$0x3F9D]  }
0x2e: {  	s3 =	simm.s32 @!p0 $0x1082;
	s9 =	sld [smem:$0x3F9E]  }
0x2f: {  	lr =	sadd.s32 s0, s3;
	s0 =	sld [smem:$0x3F95]  }
0x30: {  	s3 =	sld [smem:$0x3F98]  }
0x31: {  	[smem:$0x3FA1] =	sst s10  }
0x32: {  	s10 =	sld [smem:$0x3F9F];
	_ =	sdelay $0x3  }
0x33: {  	p0 =	seq.s32 s10, $0x1;
	s10 =	sld [smem:$0x3FA1];
	_ =	sdelay $0x3  }
0x34: {  	[smem:$0x3FA1] =	sst s10  }
0x35: {  	s10 =	sld [smem:$0x3FA0];
	_ =	sdelay $0x3  }
0x36: {  	p1 =	seq.s32 s10, $0x1;
	s10 =	sld [smem:$0x3FA1];
	_ =	sdelay $0x3  }
0x37: {  	[smem:$0x3FA1] =	sst s10  }
0x38: {  	s10 =	sld [smem:$0x3FA2]  }
0x39: {  	_ = 	snop;
	(pc) =	sbr.ind lr, $3  }
0x3a: {  	_ = 	snop  }
0x3b: {  	_ = 	snop  }
0x3c: {  	p2 =	seq.s32 s10, $0x1;
	s10 =	sld [smem:$0x3FA1]  }
0x3d: {  	_ =	shalt  }
0x3e: {  	_ =	shalt  }
0x3f: {  	_ =	shalt  }
0x40: {  	_ =	shalt  }
0x41: {  	_ =	shalt  }
0x42: {  	_ =	shalt  }
0x43: {  	_ =	shalt  }
0x44: {  	_ =	shalt  }
0x45: {  	_ =	shalt  }
0x46: {  	_ =	shalt  }
0x47: {  	_ =	shalt  }
0x48: {  	_ =	shalt  }
0x49: {  	_ =	shalt  }
0x4a: {  	_ =	shalt  }
0x4b: {  	_ =	shalt  }
0x4c: {  	_ =	shalt  }
0x4d: {  	_ =	shalt  }
0x4e: {  	_ =	shalt  }
0x4f: {  	_ =	shalt  }
0x50: {  	_ =	shalt  }
0x51: {  	_ =	shalt  }
0x52: {  	_ =	shalt  }
0x53: {  	_ =	shalt  }
0x54: {  	_ =	shalt  }
0x55: {  	_ =	shalt  }
0x56: {  	_ =	shalt  }
0x57: {  	_ =	shalt  }
0x58: {  	_ =	shalt  }
0x59: {  	_ =	shalt  }
0x5a: {  	_ =	shalt  }
0x5b: {  	_ =	shalt  }
0x5c: {  	_ =	shalt  }
0x5d: {  	_ =	shalt  }
0x5e: {  	_ =	shalt  }
0x5f: {  	_ =	shalt  }
0x60: {  	_ =	shalt  }
0x61: {  	_ =	shalt  }
0x62: {  	_ =	shalt  }
0x63: {  	_ =	shalt  }
0x64: {  	_ =	shalt  }
0x65: {  	_ =	shalt  }
0x66: {  	_ =	shalt  }
0x67: {  	_ =	shalt  }
0x68: {  	_ =	shalt  }
0x69: {  	_ =	shalt  }
0x6a: {  	_ =	shalt  }
0x6b: {  	_ =	shalt  }
0x6c: {  	_ =	shalt  }
0x6d: {  	_ =	shalt  }
0x6e: {  	_ =	shalt  }
0x6f: {  	_ =	shalt  }
0x70: {  	_ =	shalt  }
0x71: {  	_ =	shalt  }
0x72: {  	_ =	shalt  }
0x73: {  	_ =	shalt  }
0x74: {  	_ =	shalt  }
0x75: {  	_ =	shalt  }
0x76: {  	_ =	shalt  }
0x77: {  	_ =	shalt  }
0x78: {  	_ =	shalt  }
0x79: {  	_ =	shalt  }
0x7a: {  	_ =	shalt  }
0x7b: {  	_ =	shalt  }
0x7c: {  	_ =	shalt  }
0x7d: {  	_ =	shalt  }
0x7e: {  	_ =	shalt  }
0x7f: {  	_ =	shalt  }
0x80: {  	_ =	shalt  }
0x81: {  	_ =	shalt  }
0x82: {  	_ =	shalt  }
0x83: {  	_ =	shalt  }
0x84: {  	_ =	shalt  }
0x85: {  	_ =	shalt  }
0x86: {  	_ =	shalt  }
0x87: {  	_ =	shalt  }
.Lfunc_end0:
.L_simem_size_0:
called_computation.2_lowered:
.L_overlay_start_0:
0x88: {  	s2 =	sld [smem:$0x3FD9]  }
0x89: {  	s3 =	sld [smem:$0x3FFE];
	_ =	sdelay $0x1  }
0x8a: {  	s1 =	srdreg.scid  }
0x8b: {  	s0 =	sand.u32 $0x1, s1  }
0x8c: {  	s17 =	sshll.u32 s0, $0xA;
	s2 =	sadd.s32 s3, s2  }
0x8d: {  	s2 =	sadd.s32 s2, s17  }
0x8e: {  	[smem:$0x3FAD] =	sst s2  }
0x8f: {  	_ = 	snop  }
0x90: {  	s2 =	sld [smem:$0x3FC7]  }
0x91: {  	s18 =	sld [smem:$0x3FD0];
	(tm) =	ssettm $0x1  }
0x92: {  	s4 =	sld [smem:$0x3FFB];
	_ =	sdelay $0x3  }
0x93: {  	_ =	strace s4  }
0x94: {  	s4 =	sld [smem:$0x3FFC];
	_ =	sdelay $0x3  }
0x95: {  	_ =	strace s4  }
0x96: {  	s4 =	sld [smem:$0x3FFD];
	_ =	sdelay $0x3  }
0x97: {  	_ =	strace s4  }
0x98: {  	_ =	strace $0x8FFFFFFF  }
0x99: {  	s19 =	sld [smem:$0x3FDB];
	_ =	sdelay $0x1  }
0x9a: {  	s5 =	simm.s32 $_scs_section_size  }
0x9b: {  	s6 =	simm.s32 $_size__tile_overlayer_lowered;
	s7 =	simm.s32 $_tile_overlayer_lowered  }
0x9c: {  	s22 =	simm.s32 $0x1BFF;
	s21 =	sshll.u32 s7, $0x1;
	s4 =	sadd.s32 s5, s19  }
0x9d: {  	s8 =	simm.s32 $0x0;
	s20 =	sshll.u32 s6, $0x1;
	s6 =	sadd.s32 s21, s4  }
0x9e: {  	[timem:s8], [sflag:s22] =	dma.local [hbm:s6], s20  }
0x9f: {  	_ =	swait.ge [sflag:s22], s20  }
0xa0: {  	s5 =	ssub.s32 $0x0, s20;
	[sflag:s22] =	ssyncset.done $0x0  }
0xa1: {  	[sflag:s22] =	ssyncadd.s32 s5;
	_ =	sdelay $0x1  }
0xa2: {  	s23 =	simm.s32 $0x1B8B  }
0xa3: {  	_ =	swait.ge [sflag:s23], $0x1  }
0xa4: {  	[sflag:s23] =	ssyncset.done $0x0  }
0xa5: {  	s25 =	simm.s32 $0x1B8E;
	s24 =	sld [smem:$0x3FFE];
	[sflag:s23] =	ssyncadd.s32 $0xFFFFFFFF  }
0xa6: {  	s26 =	simm.s32 $execute0_lowered;
	[smem:$0x3FD2] =	sst s25  }
0xa7: {  	s6 =	sshll.u32 s26, $0x1;
	_ =	strace $0x80000049;
	[dreg:$0x1] =	wrdreg $0xFFFFFFFF  }
0xa8: {  	s28 =	simm.s32 $_size_execute0_lowered;
	s4 =	sadd.s32 s4, s6;
	[dreg:$0x0] =	wrdreg $0x0  }
0xa9: {  	s6 =	sshll.u32 s28, $0x1;
	[dreg:$0x2] =	wrdreg s4  }
0xaa: {  	[dreg:$0x3] =	wrdreg s6  }
0xab: {  	[dreg:$0x4] =	wrdreg $0xC0  }
0xac: {  	_ =	task [dreg:s8], $0x5FFFF  }
0xad: {  	[dreg:$0x1] =	wrdreg $0xFFFFFFFF  }
0xae: {  	[dreg:$0x0] =	wrdreg $0x60  }
0xaf: {  	[dreg:$0x2] =	wrdreg s2  }
0xb0: {  	[dreg:$0x3] =	wrdreg s24  }
0xb1: {  	[dreg:$0x4] =	wrdreg s18  }
0xb2: {  	[dreg:$0x5] =	wrdreg $0x9  }
0xb3: {  	_ =	task.clear_ibuf [dreg:s8], $0x6FFFF;
	_ =	strace $0x90000049  }
0xb4: {  	s29 =	simm.s32 $0x9;
	_ =	strace $0x8000004B  }
0xb5: {  	_ =	swait.ge [sflag:s29], $0x1  }
0xb6: {  	[sflag:s29] =	ssyncadd.s32 $0xFFFFFFFF  }
0xb7: {  	_ =	strace $0x9000004B  }
0xb8: {  	_ =	sfence  }
0xb9: {  	s30 =	sld [smem:$0x0];
	_ =	sdelay $0x2  }
0xba: {  	s31 =	sshll.u32 s1, $0xD;
	s1 =	sshrl.u32 s1, $0x2  }
0xbb: {  	s3 =	sand.u32 $0x4000, s31;
	s1 =	sadd.s32 s1, s30  }
0xbc: {  	s0 =	sor.u32 s3, s0;
	s1 =	sshll.u32 s1, $0x11  }
0xbd: {  	s0 =	sor.u32 s1, s0  }
0xbe: {  	s0 =	sadd.s32 $0x8F2B, s0  }
0xbf: {  	[sflag:s0] =	ssyncadd.remote.s32 $0x1  }
0xc0: {  	_ =	sfence.sel $0xFFFF  }
0xc1: {  	[dreg:$0x0] =	wrdreg $0xFFFFFFFF;
	(pc) =	sbr.abs _section_cstart, $3  }
0xc2: {  	[dreg:$0x1] =	wrdreg $0xFFFFFFFF  }
0xc3: {  	_ =	task.clear_ibuf [dreg:s8], $0x2FFFF;
	_ =	strace $0x9FFFFFFF  }
0xc4: {  	(tm) =	ssettm $0x7FFFFFFF  }
0xc5: {  	_ =	shalt  }
tec
execute0_lowered:
.L_overlay_start_1:
0x0: {  	(tag) =	ssettag $0x1  }
0x1: {  	s2 =	rddreg [dreg:$0x0]  }
0x2: {  	s1 =	srdreg.scid;
	s5 =	rddreg [dreg:$0x1]  }
0x3: {  	s0 =	stileid.u32;
	s3 =	rddreg [dreg:$0x2]  }
0x4: {  	s9 =	simm.s32 $0x1;
	s10 =	simm.s32 $0x3;
	s1 =	sshll.u32 s1, $0x6  }
0x5: {  	s13 =	simm.s32 $0x0;
	s4 =	sshll.u32 s0, $0x7;
	s6 =	sand.u32 $0x40, s1  }
0x6: {  	s12 =	simm.s32 $0x0;
	s5 =	sadd.s32 $0x4400, s5;
	s4 =	sor.u32 s4, s6  }
0x7: {  	s1 =	rddreg [dreg:$0x3];
	_ =	strace $0x8000004A;
	s8 =	ssub.s32 $0x1000, s4  }
.Ltmp0:
0x8: {  	s6 =	simm.s32 $0x1;
	s7 =	sand.u32 $0x7C0, s8;
	(pc) =	sbr.rel .LBB2_1-.Ltmp0, $4  }
0x9: {  	[sflag:s6] =	ssyncpa.u1 $0x0;
	s11 =	smov.u32 s4;
	p0 =	sne.s32 s7, $0x0  }
0xa: {  	s8 =	sshrl.u32 s8, $0xB;
	s7 =	simm.s32 $0x2;
	s9 =	simm.s32 @!p0 $0x0  }
0xb: {  	[sflag:s7] =	ssyncpa.u1 $0x0;
	p0 =	por $0x0, $0x0;
	s8 =	sadd.s32 s9, s8  }
0xc: {  	vm0 =	vmmov $0xffff;
	[sflag:s10] =	ssyncpa.u1 $0x0;
	s10 =	simm.s32 $0x0;
	s9 =	sadd.s32 $0x1, s8  }
.LBB2_4:
0xd: {  	v2 =	vnsel vm1, $0x0, v2  }
0xe: {  	vm1 =	vgt.s32 v0, $0x0;
	v2 =	vmin.u32 v2, $0xFFF  }
0xf: {  	v0 =	vnsel vm1, $0x0, v0  }
0x10: {  	v0 =	vmin.u32 v0, $0xFFF  }
0x11: {  	[tilespmem:s15], [sflag:$0x1] =	stream.indirect_vreg.gather [hbm4b:s2+s10], $0x1, v1, vm0, $0x4038;
	[tilespmem:$0x100] =	vst v63  }
0x12: {  	(ifvalue) =	ssetifvalue $0x7FFFFFFF  }
0x13: {  	[tilespmem:s16], [sflag:$0x1] =	stream.indirect_vreg.gather [hbm4b:s2+s10], $0x1, v2, vm0, $0x4038;
	[tilespmem:$0x100] =	vst v63  }
0x14: {  	s29 =	sadd.s32 $0x10, s16;
	(ifvalue) =	ssetifvalue $0x7FFFFFFF  }
0x15: {  	[tilespmem:s29], [sflag:$0x1] =	stream.indirect_vreg.gather [hbm4b:s2+s10], $0x1, v0, vm0, $0x4038;
	[tilespmem:$0x100] =	vst v63  }
0x16: {  	_ =	swait.ge [sflag:s6], $0x40  }
0x17: {  	s30 =	sshrl.u32 s13, $0x3;
	[sflag:s6] =	ssyncset.done $0x0  }
0x18: {  	s31 =	sand.u32 $0x7, s13;
	s15 =	sadd.s32 s3, s30;
	[sflag:s6] =	ssyncadd.s32 $0xFFFFFFC0  }
0x19: {  	[hbm4b:s15+s31] =	stream.linear.scatter [tilespmem:s14], [sflag:$0x3], $0x40, $0x38;
	[tilespmem:$0x100] =	vst v63  }
.LBB2_5:
0x1a: {  	s15 =	sadd.s32 $0x800, s11  }
0x1b: {  	p2 =	sgt.s32 s15, $0xFFF  }
0x1c: {  	s15 =	smov.u32 @p2 s4;
	p2 =	sne.s32 s12, s9  }
.Ltmp1:
0x1d: {  	p1 =	slt.u32 s12, $0x2;
	(pc) =	sbr.rel @!p2 .LBB2_6-.Ltmp1, $4  }
0x1e: {  	s14 =	simm.s32 @!p1 $0x3  }
0x1f: {  	s16 =	sadd.s32 $0x1, s12;
	_ =	swait.ge @!p1 [sflag:s14], $0x40  }
0x20: {  	s13 =	smov.u32 s11;
	p0 =	por !p0, !p0;
	[sflag:s14] =	ssyncset.done @!p1 $0x0  }
0x21: {  	s12 =	smov.u32 s16;
	s11 =	smov.u32 s15;
	[sflag:s14] =	ssyncadd.s32 @!p1 $0xFFFFFFC0  }
.LBB2_1:
0x22: {  	p1 =	sge.u32 s12, s8  }
0x23: {  	s14 =	sxor.u32 @!p1 $0xFFFFFFFF, s12  }
0x24: {  	s31 =	sadd.s32 $0xFFFFFFFF, s12;
	s15 =	sshrl.u32 @!p1 s11, $0x3;
	s14 =	sshll.u32 @!p1 s14, $0x6  }
0x25: {  	s16 =	sand.u32 @!p1 $0x7, s11;
	s15 =	sadd.s32 @!p1 s5, s15;
	s14 =	sand.u32 @!p1 $0x40, s14  }
0x26: {  	[tilespmem:s14], [sflag:$0x2] =	stream.linear.gather @!p1 [hbm4b:s15+s16], $0x40, $0x38;
	[tilespmem:$0x100] =	vst v63  }
0x27: {  	p1 =	sge.u32 s31, s8  }
.Ltmp2:
0x28: {  	_ = 	snop;
	(pc) =	sbr.rel @p1 .LBB2_5-.Ltmp2, $1  }
0x29: {  	_ =	sdelay $0x3  }
0x2a: {  	s14 =	simm.s32 $0x1  }
0x2b: {  	_ =	swait.ge [sflag:s7], $0x40;
	s14 =	simm.s32 @!p0 $0x0  }
0x2c: {  	[sflag:s7] =	ssyncset.done $0x0;
	s14 =	sshll.u32 s14, $0x6  }
0x2d: {  	[sflag:s7] =	ssyncadd.s32 $0xFFFFFFC0;
	(ifvalue) =	ssetifvalue $0x7FFFFFFF;
	v0 =	vld.msk [tilespmem:s14+$0x0 ss:$0x1], $0xffff;
	_ =	sdelay $0x4  }
0x2e: {  	s15 =	sadd.s32 $0x10, s14;
	vm1 =	vgt.s32 v0, $0x0  }
0x2f: {  	v2 =	vld.msk [tilespmem:s15+$0x0 ss:$0x1], $0xffff;
	v1 =	vnsel vm1, $0x0, v0  }
0x30: {  	v1 =	vmin.u32 v1, $0xFFF;
	_ =	sdelay $0x1  }
0x31: {  	s16 =	sshll.u32 s12, $0x6;
	s18 =	simm.s32 $0x20  }
0x32: {  	s16 =	sand.u32 $0x40, s16;
	s17 =	sadd.s32 $0x10, s15;
	s15 =	sor.u32 $0x80, s14  }
0x33: {  	s14 =	sor.u32 $0x80, s16;
	s16 =	sadd.s32 $0x10, s15;
	v0 =	vld.msk [tilespmem:s17+$0x0 ss:$0x1], $0xffff;
	vm1 =	vgt.s32 v2, $0x0;
	(ifvalue) =	ssetifvalue $0x7FFFFFFF  }
.LBB2_3:
0x34: {  	[tilespmem:s15], [sflag:$0x1] =	stream.indirect_vreg.gather [hbm4b:s2+s10], $0x1, v1, vm0, $0x4038;
	[tilespmem:$0x100] =	vst v63  }
0x35: {  	s18 =	sadd.s32 $0x10, s18  }
0x36: {  	v2 =	vnsel vm1, $0x0, v2;
	p1 =	slt.u32 s18, $0x30  }
.Ltmp3:
0x37: {  	s15 =	smov.u32 s16;
	v1 =	vmin.u32 v2, $0xFFF;
	(pc) =	sbr.rel @p1 .LBB2_3-.Ltmp3, $3  }
0x38: {  	_ =	sdelay $0x1  }
0x39: {  	s17 =	sadd.s32 $0x10, s17  }
0x3a: {  	vm1 =	vgt.s32 v0, $0x0;
	s16 =	sadd.s32 $0x10, s16;
	v2 =	vmov v0;
	(ifvalue) =	ssetifvalue $0x7FFFFFFF;
	v0 =	vld.msk [tilespmem:s17+$0x0 ss:$0x1], $0xffff  }
.Ltmp4:
0x3b: {  	_ = 	snop;
	(pc) =	sbr.rel .LBB2_4-.Ltmp4, $1  }
0x3c: {  	_ =	sdelay $0x3  }
.LBB2_6:
0x3d: {  	_ =	sfence.sel $0x180000  }
0x3e: {  	s2 =	simm.s32 $0x2;
	[bflag:$0x0] =	sbarrier.arrive $0xFFFF  }
0x3f: {  	s30 =	simm.s32 $0x3;
	[sflag:s2] =	ssyncpa.u1 $0x1  }
0x40: {  	s31 =	simm.s32 $0x1;
	[sflag:s30] =	ssyncpa.u1 $0x1  }
0x41: {  	[sflag:s31] =	ssyncpa.u1 $0x1  }
0x42: {  	p0 =	sne.s32 s0, $0x0;
	_ =	strace $0x9000004A  }
0x43: {  	s0 =	sadd.s32 @!p0 $0x100000, s1;
	[bflag:$0x2] =	sbarrier.arrive $0xFFFF  }
0x44: {  	[sflag:s0] =	ssyncadd.tile.s32 @!p0 $0x1;
	_ =	shalt  }
.Lfunc_end2:
_tile_overlayer_lowered:
.L_overlay_start_2:
0x45: {  	(tag) =	ssettag $0x2  }
0x46: {  	s0 =	rddreg [dreg:$0x0];
	s2 =	stileid.u32  }
0x47: {  	s1 =	rddreg [dreg:$0x1];
	p0 =	sne.s32 s2, $0x0  }
0x48: {  	s3 =	rddreg [dreg:$0x2];
	[bflag:$0x3] =	sbarrier.arrive $0xFFFF;
	s2 =	simm.s32 @!p0 $0x1C01  }
0x49: {  	[timem:s3], [sflag:s2] =	dma.local @!p0 [hbm:s0], s1  }
0x4a: {  	s0 =	simm.s32 @!p0 $0x1  }
0x4b: {  	_ =	swait.ge @!p0 [sflag:s0], s1  }
0x4c: {  	s1 =	ssub.s32 @!p0 $0x0, s1;
	[sflag:s0] =	ssyncset.done @!p0 $0x0  }
0x4d: {  	[sflag:s0] =	ssyncadd.s32 @!p0 s1  }
0x4e: {  	[bflag:$0x3] =	sbarrier.arrive $0xFFFF  }
0x4f: {  	_ =	shalt  }

// kernel: gather_offload_async_start.2
scs
__scs_entry_jumppad:
0x0: {  	(pc) =	sbr.rel $0x88, $3  }
0x1: {  	(tag) =	ssettag $0x0;
	lr =	simm.s32 $0x1  }
0x2: {  	[smem:$0x3F86] =	sst lr;
	_ =	strace $0xD0000000  }
0x3: {  	_ = 	snop  }
0x4: {  	_ = 	snop  }
0x5: {  	_ = 	snop  }
0x6: {  	_ = 	snop  }
0x7: {  	_ = 	snop  }
__scs_overlays_trampoline_lowered:
0x8: {  	[smem:$0x3F95] =	sst s0  }
0x9: {  	[smem:$0x3F96] =	sst s1  }
0xa: {  	[smem:$0x3F97] =	sst s2  }
0xb: {  	[smem:$0x3F98] =	sst s3  }
0xc: {  	[smem:$0x3F99] =	sst s4  }
0xd: {  	[smem:$0x3F9A] =	sst s5  }
0xe: {  	[smem:$0x3F9B] =	sst s6  }
0xf: {  	[smem:$0x3F9C] =	sst s7  }
0x10: {  	[smem:$0x3F9D] =	sst s8  }
0x11: {  	[smem:$0x3F9E] =	sst s9;
	s0 =	simm.s32 @!p0 $0x0  }
0x12: {  	s1 =	sld [smem:$0x3F84];
	s0 =	simm.s32 @p0 $0x1  }
0x13: {  	[smem:$0x3F9F] =	sst s0;
	s0 =	simm.s32 @!p1 $0x0  }
0x14: {  	s2 =	sld [smem:$0x3F83];
	s0 =	simm.s32 @p1 $0x1  }
0x15: {  	[smem:$0x3FA0] =	sst s0;
	s0 =	simm.s32 @!p2 $0x0  }
0x16: {  	s3 =	sld [smem:$0x3FDB];
	s0 =	simm.s32 @p2 $0x1  }
0x17: {  	s4 =	simm.s32 $0x1BF5;
	[smem:$0x3FA2] =	sst s0  }
0x18: {  	s0 =	sld [smem:$0x3F85];
	_ =	swait.ge [sflag:s4], $0x0  }
0x19: {  	s7 =	sld [smem:$0x3F86]  }
0x1a: {  	s8 =	sadd.s32 $0xFFFFE003, lr  }
0x1b: {  	s9 =	sadd.s32 $0xFFFFFEF7, lr;
	s5 =	simm.s32 $0xFFFFFFFF;
	p2 =	slt.u32 s8, $0xFFFFF086  }
0x1c: {  	p1 =	slt.u32 s9, $0xF7A;
	s5 =	simm.s32 @!p2 $0x0  }
0x1d: {  	s5 =	simm.s32 @p1 $0x1;
	p0 =	seq.s32 s7, s2  }
0x1e: {  	s7 =	smul.u32 @!p0 $0xF7A, s2;
	p2 =	seq.s32 @!p0 s5, $0x0  }
0x1f: {  	s9 =	smul.u32 $0xF7A, s1;
	s8 =	simm.s32 @!p0 $0x1BF5;
	p2 =	por !p2, p0  }
0x20: {  	[sflag:s8] =	ssyncset.s32 @!p0 $0xFFFFF086;
	s6 =	sadd.s32 @!p0 s3, s7;
	s7 =	simm.s32 @!p0 $0x108  }
0x21: {  	s3 =	sadd.s32 s3, s9;
	s6 =	sadd.s32 @!p0 $0x88, s6;
	s7 =	simm.s32 @p2 $0x1082  }
0x22: {  	[simem:s7], [sflag:s8] =	dma.local @!p0 [hbm:s6], $0xF7A  }
0x23: {  	s9 =	sor.u32 $0xD0000000, s2;
	s6 =	simm.s32 $0x108;
	_ =	swait.ge @!p0 [sflag:s8], $0x0  }
0x24: {  	s3 =	sadd.s32 $0x88, s3;
	s6 =	simm.s32 @!p1 $0x1082;
	[sflag:s4] =	ssyncset.s32 $0xFFFFF086  }
0x25: {  	[simem:s6], [sflag:s4] =	dma.local [hbm:s3], $0xF7A  }
0x26: {  	[smem:$0x3F86] =	sst s1;
	(tag) =	ssettag s2;
	_ =	strace s9  }
0x27: {  	s1 =	sld [smem:$0x3F96]  }
0x28: {  	s2 =	sld [smem:$0x3F97]  }
0x29: {  	s4 =	sld [smem:$0x3F99]  }
0x2a: {  	p0 =	seq.s32 s5, $0x0;
	s5 =	sld [smem:$0x3F9A]  }
0x2b: {  	s6 =	sld [smem:$0x3F9B]  }
0x2c: {  	s7 =	sld [smem:$0x3F9C]  }
0x2d: {  	s3 =	simm.s32 $0x108;
	s8 =	sld [smem:$0x3F9D]  }
0x2e: {  	s3 =	simm.s32 @!p0 $0x1082;
	s9 =	sld [smem:$0x3F9E]  }
0x2f: {  	lr =	sadd.s32 s0, s3;
	s0 =	sld [smem:$0x3F95]  }
0x30: {  	s3 =	sld [smem:$0x3F98]  }
0x31: {  	[smem:$0x3FA1] =	sst s10  }
0x32: {  	s10 =	sld [smem:$0x3F9F];
	_ =	sdelay $0x3  }
0x33: {  	p0 =	seq.s32 s10, $0x1;
	s10 =	sld [smem:$0x3FA1];
	_ =	sdelay $0x3  }
0x34: {  	[smem:$0x3FA1] =	sst s10  }
0x35: {  	s10 =	sld [smem:$0x3FA0];
	_ =	sdelay $0x3  }
0x36: {  	p1 =	seq.s32 s10, $0x1;
	s10 =	sld [smem:$0x3FA1];
	_ =	sdelay $0x3  }
0x37: {  	[smem:$0x3FA1] =	sst s10  }
0x38: {  	s10 =	sld [smem:$0x3FA2]  }
0x39: {  	_ = 	snop;
	(pc) =	sbr.ind lr, $3  }
0x3a: {  	_ = 	snop  }
0x3b: {  	_ = 	snop  }
0x3c: {  	p2 =	seq.s32 s10, $0x1;
	s10 =	sld [smem:$0x3FA1]  }
0x3d: {  	_ =	shalt  }
0x3e: {  	_ =	shalt  }
0x3f: {  	_ =	shalt  }
0x40: {  	_ =	shalt  }
0x41: {  	_ =	shalt  }
0x42: {  	_ =	shalt  }
0x43: {  	_ =	shalt  }
0x44: {  	_ =	shalt  }
0x45: {  	_ =	shalt  }
0x46: {  	_ =	shalt  }
0x47: {  	_ =	shalt  }
0x48: {  	_ =	shalt  }
0x49: {  	_ =	shalt  }
0x4a: {  	_ =	shalt  }
0x4b: {  	_ =	shalt  }
0x4c: {  	_ =	shalt  }
0x4d: {  	_ =	shalt  }
0x4e: {  	_ =	shalt  }
0x4f: {  	_ =	shalt  }
0x50: {  	_ =	shalt  }
0x51: {  	_ =	shalt  }
0x52: {  	_ =	shalt  }
0x53: {  	_ =	shalt  }
0x54: {  	_ =	shalt  }
0x55: {  	_ =	shalt  }
0x56: {  	_ =	shalt  }
0x57: {  	_ =	shalt  }
0x58: {  	_ =	shalt  }
0x59: {  	_ =	shalt  }
0x5a: {  	_ =	shalt  }
0x5b: {  	_ =	shalt  }
0x5c: {  	_ =	shalt  }
0x5d: {  	_ =	shalt  }
0x5e: {  	_ =	shalt  }
0x5f: {  	_ =	shalt  }
0x60: {  	_ =	shalt  }
0x61: {  	_ =	shalt  }
0x62: {  	_ =	shalt  }
0x63: {  	_ =	shalt  }
0x64: {  	_ =	shalt  }
0x65: {  	_ =	shalt  }
0x66: {  	_ =	shalt  }
0x67: {  	_ =	shalt  }
0x68: {  	_ =	shalt  }
0x69: {  	_ =	shalt  }
0x6a: {  	_ =	shalt  }
0x6b: {  	_ =	shalt  }
0x6c: {  	_ =	shalt  }
0x6d: {  	_ =	shalt  }
0x6e: {  	_ =	shalt  }
0x6f: {  	_ =	shalt  }
0x70: {  	_ =	shalt  }
0x71: {  	_ =	shalt  }
0x72: {  	_ =	shalt  }
0x73: {  	_ =	shalt  }
0x74: {  	_ =	shalt  }
0x75: {  	_ =	shalt  }
0x76: {  	_ =	shalt  }
0x77: {  	_ =	shalt  }
0x78: {  	_ =	shalt  }
0x79: {  	_ =	shalt  }
0x7a: {  	_ =	shalt  }
0x7b: {  	_ =	shalt  }
0x7c: {  	_ =	shalt  }
0x7d: {  	_ =	shalt  }
0x7e: {  	_ =	shalt  }
0x7f: {  	_ =	shalt  }
0x80: {  	_ =	shalt  }
0x81: {  	_ =	shalt  }
0x82: {  	_ =	shalt  }
0x83: {  	_ =	shalt  }
0x84: {  	_ =	shalt  }
0x85: {  	_ =	shalt  }
0x86: {  	_ =	shalt  }
0x87: {  	_ =	shalt  }
.Lfunc_end0:
.L_simem_size_0:
called_computation.3_lowered:
.L_overlay_start_0:
0x88: {  	s2 =	sld [smem:$0x3FD9]  }
0x89: {  	s3 =	sld [smem:$0x3FFE];
	_ =	sdelay $0x1  }
0x8a: {  	s1 =	srdreg.scid  }
0x8b: {  	s0 =	sand.u32 $0x1, s1  }
0x8c: {  	s17 =	sshll.u32 s0, $0xA;
	s2 =	sadd.s32 s3, s2  }
0x8d: {  	s2 =	sadd.s32 s2, s17  }
0x8e: {  	[smem:$0x3FAD] =	sst s2  }
0x8f: {  	_ = 	snop  }
0x90: {  	s2 =	sld [smem:$0x3FD0];
	(tm) =	ssettm $0x1  }
0x91: {  	s18 =	sld [smem:$0x3FFB];
	_ =	sdelay $0x3  }
0x92: {  	_ =	strace s18  }
0x93: {  	s3 =	sld [smem:$0x3FFC];
	_ =	sdelay $0x3  }
0x94: {  	_ =	strace s3  }
0x95: {  	s3 =	sld [smem:$0x3FFD];
	_ =	sdelay $0x3  }
0x96: {  	_ =	strace s3  }
0x97: {  	_ =	strace $0x8FFFFFFF  }
0x98: {  	s19 =	sld [smem:$0x3FDB];
	_ =	sdelay $0x1  }
0x99: {  	s4 =	simm.s32 $_scs_section_size  }
0x9a: {  	s5 =	simm.s32 $_size__tile_overlayer_lowered;
	s6 =	simm.s32 $_tile_overlayer_lowered  }
0x9b: {  	s22 =	simm.s32 $0x1BFF;
	s21 =	sshll.u32 s6, $0x1;
	s3 =	sadd.s32 s4, s19  }
0x9c: {  	s7 =	simm.s32 $0x0;
	s20 =	sshll.u32 s5, $0x1;
	s5 =	sadd.s32 s21, s3  }
0x9d: {  	[timem:s7], [sflag:s22] =	dma.local [hbm:s5], s20  }
0x9e: {  	_ =	swait.ge [sflag:s22], s20  }
0x9f: {  	s4 =	ssub.s32 $0x0, s20;
	[sflag:s22] =	ssyncset.done $0x0  }
0xa0: {  	[sflag:s22] =	ssyncadd.s32 s4;
	_ =	sdelay $0x1  }
0xa1: {  	s23 =	simm.s32 $0x1B8B  }
0xa2: {  	_ =	swait.ge [sflag:s23], $0x1  }
0xa3: {  	[sflag:s23] =	ssyncset.done $0x0  }
0xa4: {  	s25 =	simm.s32 $0x1B8E;
	s24 =	sld [smem:$0x3FFE];
	[sflag:s23] =	ssyncadd.s32 $0xFFFFFFFF  }
0xa5: {  	s26 =	simm.s32 $execute0_lowered;
	[smem:$0x3FD2] =	sst s25  }
0xa6: {  	s5 =	sshll.u32 s26, $0x1;
	_ =	strace $0x8000004F;
	[dreg:$0x1] =	wrdreg $0xFFFFFFFF  }
0xa7: {  	s28 =	simm.s32 $_size_execute0_lowered;
	s3 =	sadd.s32 s3, s5;
	[dreg:$0x0] =	wrdreg $0x0  }
0xa8: {  	s5 =	sshll.u32 s28, $0x1;
	[dreg:$0x2] =	wrdreg s3  }
0xa9: {  	[dreg:$0x3] =	wrdreg s5  }
0xaa: {  	[dreg:$0x4] =	wrdreg $0xC0  }
0xab: {  	_ =	task [dreg:s7], $0x5FFFF  }
0xac: {  	[dreg:$0x1] =	wrdreg $0xFFFFFFFF  }
0xad: {  	[dreg:$0x0] =	wrdreg $0x60  }
0xae: {  	[dreg:$0x2] =	wrdreg s24  }
0xaf: {  	[dreg:$0x3] =	wrdreg s2  }
0xb0: {  	[dreg:$0x4] =	wrdreg $0x9  }
0xb1: {  	_ =	task.clear_ibuf [dreg:s7], $0x5FFFF;
	_ =	strace $0x9000004F  }
0xb2: {  	s29 =	simm.s32 $0x9;
	_ =	strace $0x80000051  }
0xb3: {  	_ =	swait.ge [sflag:s29], $0x1  }
0xb4: {  	[sflag:s29] =	ssyncadd.s32 $0xFFFFFFFF  }
0xb5: {  	_ =	strace $0x90000051  }
0xb6: {  	_ =	sfence  }
0xb7: {  	s30 =	sld [smem:$0x0];
	_ =	sdelay $0x2  }
0xb8: {  	s31 =	sshll.u32 s1, $0xD;
	s1 =	sshrl.u32 s1, $0x2  }
0xb9: {  	s3 =	sand.u32 $0x4000, s31;
	s1 =	sadd.s32 s1, s30  }
0xba: {  	s0 =	sor.u32 s3, s0;
	s1 =	sshll.u32 s1, $0x11  }
0xbb: {  	s0 =	sor.u32 s1, s0  }
0xbc: {  	s0 =	sadd.s32 $0x8F2B, s0  }
0xbd: {  	[sflag:s0] =	ssyncadd.remote.s32 $0x1  }
0xbe: {  	_ =	sfence.sel $0xFFFF  }
0xbf: {  	[dreg:$0x0] =	wrdreg $0xFFFFFFFF;
	(pc) =	sbr.abs _section_cstart, $3  }
0xc0: {  	[dreg:$0x1] =	wrdreg $0xFFFFFFFF  }
0xc1: {  	_ =	task.clear_ibuf [dreg:s7], $0x2FFFF;
	_ =	strace $0x9FFFFFFF  }
0xc2: {  	(tm) =	ssettm $0x7FFFFFFF  }
0xc3: {  	_ =	shalt  }
tec
execute0_lowered:
.L_overlay_start_1:
0x0: {  	(tag) =	ssettag $0x1  }
0x1: {  	s7 =	rddreg [dreg:$0x0]  }
0x2: {  	s2 =	rddreg [dreg:$0x1]  }
0x3: {  	s0 =	rddreg [dreg:$0x2]  }
0x4: {  	s1 =	srdreg.scid;
	_ =	strace $0x80000050;
	s4 =	simm.s32 $0x1  }
0x5: {  	s9 =	simm.s32 $0x3;
	s12 =	simm.s32 $0x0;
	s5 =	sshll.u32 s1, $0x4  }
.Ltmp0:
0x6: {  	s1 =	stileid.u32;
	s5 =	sand.u32 $0x10, s5;
	(pc) =	sbr.rel .LBB2_1-.Ltmp0, $4  }
0x7: {  	s10 =	simm.s32 $0x0;
	s3 =	sadd.s32 $0x4200, s7;
	s6 =	sor.u32 s1, s5  }
0x8: {  	[sflag:s4] =	ssyncpa.u1 $0x0;
	s5 =	simm.s32 $0x2;
	s6 =	sshll.u32 s6, $0x7  }
0x9: {  	s7 =	sadd.s32 $0x46200, s7;
	[sflag:s5] =	ssyncpa.u1 $0x0;
	s8 =	sadd.s32 $0x80, s6  }
0xa: {  	vm0 =	vmmov $0xff;
	vm1 =	vcmask $0x3F20;
	[sflag:s9] =	ssyncpa.u1 $0x0;
	s9 =	simm.s32 $0x80;
	s11 =	smov.u32 s6  }
.LBB2_9:
0xb: {  	p0 =	seq.s32 s10, $0x2  }
.Ltmp1:
0xc: {  	_ = 	snop;
	(pc) =	sbr.rel @p0 .LBB2_11-.Ltmp1, $1  }
0xd: {  	_ =	sdelay $0x3  }
.LBB2_10:
0xe: {  	s12 =	sadd.s32 $0x80, s11  }
0xf: {  	s13 =	smov.u32 s6;
	p0 =	slt.s32 s12, s8  }
0x10: {  	s13 =	smov.u32 @p0 s12  }
0x11: {  	s10 =	sadd.s32 $0x1, s10;
	s12 =	smov.u32 s11;
	s11 =	smov.u32 s13  }
.LBB2_1:
0x12: {  	p0 =	sne.s32 s10, $0x0  }
.Ltmp2:
0x13: {  	_ = 	snop;
	(pc) =	sbr.rel @!p0 .LBB2_2-.Ltmp2, $1  }
0x14: {  	_ =	sdelay $0x3  }
0x15: {  	s13 =	sand.u32 $0x1, s10  }
0x16: {  	p0 =	seq.s32 s13, $0x0  }
.Ltmp3:
0x17: {  	_ = 	snop;
	(pc) =	sbr.rel @p0 .LBB2_9-.Ltmp3, $1  }
0x18: {  	_ =	sdelay $0x3  }
0x19: {  	_ =	swait.ge [sflag:s5], $0x80  }
0x1a: {  	[sflag:s5] =	ssyncset.done $0x0  }
0x1b: {  	s13 =	simm.s32 $0x0;
	[sflag:s5] =	ssyncadd.s32 $0xFFFFFF80  }
0x1c: {  	v0 =	vld.msk [tilespmem:s13+$0x80 ss:$0x1], $0xffff;
	_ =	sdelay $0x4  }
0x1d: {  	vm2 =	vgt.s32 v0, $0x0  }
0x1e: {  	v0 =	vnsel vm2, $0x0, v0  }
0x1f: {  	v0 =	vmin.u32 v0, $0x41FF  }
0x20: {  	v0 =	vshll.u32 v0, $0x4;
	_ =	sdelay $0x3  }
0x21: {  	s13 =	simm.s32 $0x4100  }
0x22: {  	[tilespmem:s13], [sflag:$0x1] =	stream.indirect_vreg.gather [hbm:s3], $0x80, v0, vm0, $0x38;
	[tilespmem:$0x8100] =	vst v63  }
0x23: {  	s14 =	simm.s32 $0x4500;
	s31 =	simm.s32 $0x10  }
0x24: {  	[tilespmem:s14], [sflag:$0x1] =	stream.indirect_vreg.gather [hbm:s3], $0x80, v0, vm1, $0x38;
	[tilespmem:$0x8100] =	vst v63  }
0x25: {  	s14 =	simm.s32 $0x80;
	v0 =	vld.msk [tilespmem:s31+$0x80 ss:$0x1], $0xffff  }
.LBB2_5:
0x26: {  	p0 =	sne.s32 s14, $0x1C0;
	_ =	sdelay $0x4  }
0x27: {  	vm2 =	vgt.s32 v0, $0x0  }
0x28: {  	v0 =	vnsel vm2, $0x0, v0  }
0x29: {  	v0 =	vmin.u32 v0, $0x41FF  }
0x2a: {  	v0 =	vshll.u32 v0, $0x4;
	_ =	sdelay $0x3  }
.Ltmp4:
0x2b: {  	s13 =	sadd.s32 $0x800, s13;
	(pc) =	sbr.rel @p0 .LBB2_5-.Ltmp4, $4  }
0x2c: {  	[tilespmem:s13], [sflag:$0x1] =	stream.indirect_vreg.gather [hbm:s3], $0x80, v0, vm0, $0x38;
	[tilespmem:$0x8100] =	vst v63  }
0x2d: {  	s15 =	sshra.s32 s14, $0x2;
	s16 =	sadd.s32 $0x400, s13  }
0x2e: {  	[tilespmem:s16], [sflag:$0x1] =	stream.indirect_vreg.gather [hbm:s3], $0x80, v0, vm1, $0x38;
	[tilespmem:$0x8100] =	vst v63  }
0x2f: {  	s14 =	sadd.s32 $0x40, s14;
	v0 =	vld.msk [tilespmem:s15+$0x80 ss:$0x1], $0xffff  }
0x30: {  	_ =	sdelay $0x3  }
0x31: {  	vm2 =	vgt.s32 v0, $0x0  }
0x32: {  	v0 =	vnsel vm2, $0x0, v0  }
0x33: {  	v0 =	vmin.u32 v0, $0x41FF  }
0x34: {  	v0 =	vshll.u32 v0, $0x4;
	_ =	sdelay $0x3  }
0x35: {  	s13 =	sadd.s32 $0x800, s13  }
0x36: {  	[tilespmem:s13], [sflag:$0x1] =	stream.indirect_vreg.gather [hbm:s3], $0x80, v0, vm0, $0x38;
	[tilespmem:$0x8100] =	vst v63  }
0x37: {  	s13 =	sadd.s32 $0x400, s13  }
0x38: {  	[tilespmem:s13], [sflag:$0x1] =	stream.indirect_vreg.gather [hbm:s3], $0x80, v0, vm1, $0x38;
	[tilespmem:$0x8100] =	vst v63  }
0x39: {  	s12 =	sshll.u32 s12, $0x4;
	s14 =	simm.s32 $0x80;
	_ =	swait.ge [sflag:s4], $0x4000  }
0x3a: {  	s15 =	simm.s32 $0x4500;
	s12 =	sadd.s32 s12, s7;
	[sflag:s4] =	ssyncset.done $0x0  }
0x3b: {  	s16 =	sadd.s32 $0x0, s12;
	s13 =	simm.s32 $0x4100;
	[sflag:s4] =	ssyncadd.s32 $0xFFFFC000  }
.LBB2_7:
0x3c: {  	[hbm:s16] =	stream.linear.scatter [tilespmem:s13], [sflag:$0x3], $0x400, $0x38;
	[tilespmem:$0x8100] =	vst v63  }
0x3d: {  	s16 =	smov.u32 s14;
	s13 =	smov.u32 s15;
	p0 =	sne.s32 s14, $0x780  }
.Ltmp5:
0x3e: {  	s14 =	sadd.s32 $0x80, s14;
	(pc) =	sbr.rel @p0 .LBB2_7-.Ltmp5, $2  }
0x3f: {  	_ =	sdelay $0x2  }
0x40: {  	s15 =	sadd.s32 $0x400, s15;
	s16 =	sadd.s32 s16, s12  }
.Ltmp6:
0x41: {  	(pc) =	sbr.rel .LBB2_9-.Ltmp6, $2  }
0x42: {  	_ =	sdelay $0x2  }
0x43: {  	[hbm:s16] =	stream.linear.scatter [tilespmem:s13], [sflag:$0x3], $0x400, $0x38;
	[tilespmem:$0x8100] =	vst v63  }
.LBB2_2:
.Ltmp7:
0x44: {  	(pc) =	sbr.rel .LBB2_10-.Ltmp7, $4  }
0x45: {  	_ = 	snop  }
0x46: {  	s12 =	sshrl.u32 s11, $0x3  }
0x47: {  	s13 =	sand.u32 $0x7, s11;
	s12 =	sadd.s32 s2, s12  }
0x48: {  	[tilespmem:s9], [sflag:$0x2] =	stream.linear.gather [hbm4b:s12+s13], $0x80, $0x38;
	[tilespmem:$0x8100] =	vst v63  }
.LBB2_11:
0x49: {  	s2 =	simm.s32 $0x3  }
0x4a: {  	_ =	swait.ge [sflag:s2], $0x4000  }
0x4b: {  	[sflag:s2] =	ssyncset.done $0x0  }
0x4c: {  	[sflag:s2] =	ssyncadd.s32 $0xFFFFC000  }
0x4d: {  	_ =	sfence.sel $0x180000  }
0x4e: {  	s3 =	simm.s32 $0x2;
	[bflag:$0x0] =	sbarrier.arrive $0xFFFF  }
0x4f: {  	[sflag:s3] =	ssyncpa.u1 $0x1  }
0x50: {  	s31 =	simm.s32 $0x1;
	[sflag:s2] =	ssyncpa.u1 $0x1  }
0x51: {  	[sflag:s31] =	ssyncpa.u1 $0x1  }
0x52: {  	p0 =	sne.s32 s1, $0x0;
	_ =	strace $0x90000050  }
0x53: {  	s0 =	sadd.s32 @!p0 $0x100000, s0;
	[bflag:$0x2] =	sbarrier.arrive $0xFFFF  }
0x54: {  	[sflag:s0] =	ssyncadd.tile.s32 @!p0 $0x1;
	_ =	shalt  }
.Lfunc_end2:
_tile_overlayer_lowered:
.L_overlay_start_2:
0x55: {  	(tag) =	ssettag $0x2  }
0x56: {  	s0 =	rddreg [dreg:$0x0];
	s2 =	stileid.u32  }
0x57: {  	s1 =	rddreg [dreg:$0x1];
	p0 =	sne.s32 s2, $0x0  }
0x58: {  	s3 =	rddreg [dreg:$0x2];
	[bflag:$0x3] =	sbarrier.arrive $0xFFFF;
	s2 =	simm.s32 @!p0 $0x1C01  }
0x59: {  	[timem:s3], [sflag:s2] =	dma.local @!p0 [hbm:s0], s1  }
0x5a: {  	s0 =	simm.s32 @!p0 $0x1  }
0x5b: {  	_ =	swait.ge @!p0 [sflag:s0], s1  }
0x5c: {  	s1 =	ssub.s32 @!p0 $0x0, s1;
	[sflag:s0] =	ssyncset.done @!p0 $0x0  }
0x5d: {  	[sflag:s0] =	ssyncadd.s32 @!p0 s1  }
0x5e: {  	[bflag:$0x3] =	sbarrier.arrive $0xFFFF  }
0x5f: {  	_ =	shalt  }

// kernel: gather_offload_async_start
scs
__scs_entry_jumppad:
0x0: {  	(pc) =	sbr.rel $0x88, $3  }
0x1: {  	(tag) =	ssettag $0x0;
	lr =	simm.s32 $0x1  }
0x2: {  	[smem:$0x3F86] =	sst lr;
	_ =	strace $0xD0000000  }
0x3: {  	_ = 	snop  }
0x4: {  	_ = 	snop  }
0x5: {  	_ = 	snop  }
0x6: {  	_ = 	snop  }
0x7: {  	_ = 	snop  }
__scs_overlays_trampoline_lowered:
0x8: {  	[smem:$0x3F95] =	sst s0  }
0x9: {  	[smem:$0x3F96] =	sst s1  }
0xa: {  	[smem:$0x3F97] =	sst s2  }
0xb: {  	[smem:$0x3F98] =	sst s3  }
0xc: {  	[smem:$0x3F99] =	sst s4  }
0xd: {  	[smem:$0x3F9A] =	sst s5  }
0xe: {  	[smem:$0x3F9B] =	sst s6  }
0xf: {  	[smem:$0x3F9C] =	sst s7  }
0x10: {  	[smem:$0x3F9D] =	sst s8  }
0x11: {  	[smem:$0x3F9E] =	sst s9;
	s0 =	simm.s32 @!p0 $0x0  }
0x12: {  	s1 =	sld [smem:$0x3F84];
	s0 =	simm.s32 @p0 $0x1  }
0x13: {  	[smem:$0x3F9F] =	sst s0;
	s0 =	simm.s32 @!p1 $0x0  }
0x14: {  	s2 =	sld [smem:$0x3F83];
	s0 =	simm.s32 @p1 $0x1  }
0x15: {  	[smem:$0x3FA0] =	sst s0;
	s0 =	simm.s32 @!p2 $0x0  }
0x16: {  	s3 =	sld [smem:$0x3FDB];
	s0 =	simm.s32 @p2 $0x1  }
0x17: {  	s4 =	simm.s32 $0x1BF5;
	[smem:$0x3FA2] =	sst s0  }
0x18: {  	s0 =	sld [smem:$0x3F85];
	_ =	swait.ge [sflag:s4], $0x0  }
0x19: {  	s7 =	sld [smem:$0x3F86]  }
0x1a: {  	s8 =	sadd.s32 $0xFFFFE003, lr  }
0x1b: {  	s9 =	sadd.s32 $0xFFFFFEF7, lr;
	s5 =	simm.s32 $0xFFFFFFFF;
	p2 =	slt.u32 s8, $0xFFFFF086  }
0x1c: {  	p1 =	slt.u32 s9, $0xF7A;
	s5 =	simm.s32 @!p2 $0x0  }
0x1d: {  	s5 =	simm.s32 @p1 $0x1;
	p0 =	seq.s32 s7, s2  }
0x1e: {  	s7 =	smul.u32 @!p0 $0xF7A, s2;
	p2 =	seq.s32 @!p0 s5, $0x0  }
0x1f: {  	s9 =	smul.u32 $0xF7A, s1;
	s8 =	simm.s32 @!p0 $0x1BF5;
	p2 =	por !p2, p0  }
0x20: {  	[sflag:s8] =	ssyncset.s32 @!p0 $0xFFFFF086;
	s6 =	sadd.s32 @!p0 s3, s7;
	s7 =	simm.s32 @!p0 $0x108  }
0x21: {  	s3 =	sadd.s32 s3, s9;
	s6 =	sadd.s32 @!p0 $0x88, s6;
	s7 =	simm.s32 @p2 $0x1082  }
0x22: {  	[simem:s7], [sflag:s8] =	dma.local @!p0 [hbm:s6], $0xF7A  }
0x23: {  	s9 =	sor.u32 $0xD0000000, s2;
	s6 =	simm.s32 $0x108;
	_ =	swait.ge @!p0 [sflag:s8], $0x0  }
0x24: {  	s3 =	sadd.s32 $0x88, s3;
	s6 =	simm.s32 @!p1 $0x1082;
	[sflag:s4] =	ssyncset.s32 $0xFFFFF086  }
0x25: {  	[simem:s6], [sflag:s4] =	dma.local [hbm:s3], $0xF7A  }
0x26: {  	[smem:$0x3F86] =	sst s1;
	(tag) =	ssettag s2;
	_ =	strace s9  }
0x27: {  	s1 =	sld [smem:$0x3F96]  }
0x28: {  	s2 =	sld [smem:$0x3F97]  }
0x29: {  	s4 =	sld [smem:$0x3F99]  }
0x2a: {  	p0 =	seq.s32 s5, $0x0;
	s5 =	sld [smem:$0x3F9A]  }
0x2b: {  	s6 =	sld [smem:$0x3F9B]  }
0x2c: {  	s7 =	sld [smem:$0x3F9C]  }
0x2d: {  	s3 =	simm.s32 $0x108;
	s8 =	sld [smem:$0x3F9D]  }
0x2e: {  	s3 =	simm.s32 @!p0 $0x1082;
	s9 =	sld [smem:$0x3F9E]  }
0x2f: {  	lr =	sadd.s32 s0, s3;
	s0 =	sld [smem:$0x3F95]  }
0x30: {  	s3 =	sld [smem:$0x3F98]  }
0x31: {  	[smem:$0x3FA1] =	sst s10  }
0x32: {  	s10 =	sld [smem:$0x3F9F];
	_ =	sdelay $0x3  }
0x33: {  	p0 =	seq.s32 s10, $0x1;
	s10 =	sld [smem:$0x3FA1];
	_ =	sdelay $0x3  }
0x34: {  	[smem:$0x3FA1] =	sst s10  }
0x35: {  	s10 =	sld [smem:$0x3FA0];
	_ =	sdelay $0x3  }
0x36: {  	p1 =	seq.s32 s10, $0x1;
	s10 =	sld [smem:$0x3FA1];
	_ =	sdelay $0x3  }
0x37: {  	[smem:$0x3FA1] =	sst s10  }
0x38: {  	s10 =	sld [smem:$0x3FA2]  }
0x39: {  	_ = 	snop;
	(pc) =	sbr.ind lr, $3  }
0x3a: {  	_ = 	snop  }
0x3b: {  	_ = 	snop  }
0x3c: {  	p2 =	seq.s32 s10, $0x1;
	s10 =	sld [smem:$0x3FA1]  }
0x3d: {  	_ =	shalt  }
0x3e: {  	_ =	shalt  }
0x3f: {  	_ =	shalt  }
0x40: {  	_ =	shalt  }
0x41: {  	_ =	shalt  }
0x42: {  	_ =	shalt  }
0x43: {  	_ =	shalt  }
0x44: {  	_ =	shalt  }
0x45: {  	_ =	shalt  }
0x46: {  	_ =	shalt  }
0x47: {  	_ =	shalt  }
0x48: {  	_ =	shalt  }
0x49: {  	_ =	shalt  }
0x4a: {  	_ =	shalt  }
0x4b: {  	_ =	shalt  }
0x4c: {  	_ =	shalt  }
0x4d: {  	_ =	shalt  }
0x4e: {  	_ =	shalt  }
0x4f: {  	_ =	shalt  }
0x50: {  	_ =	shalt  }
0x51: {  	_ =	shalt  }
0x52: {  	_ =	shalt  }
0x53: {  	_ =	shalt  }
0x54: {  	_ =	shalt  }
0x55: {  	_ =	shalt  }
0x56: {  	_ =	shalt  }
0x57: {  	_ =	shalt  }
0x58: {  	_ =	shalt  }
0x59: {  	_ =	shalt  }
0x5a: {  	_ =	shalt  }
0x5b: {  	_ =	shalt  }
0x5c: {  	_ =	shalt  }
0x5d: {  	_ =	shalt  }
0x5e: {  	_ =	shalt  }
0x5f: {  	_ =	shalt  }
0x60: {  	_ =	shalt  }
0x61: {  	_ =	shalt  }
0x62: {  	_ =	shalt  }
0x63: {  	_ =	shalt  }
0x64: {  	_ =	shalt  }
0x65: {  	_ =	shalt  }
0x66: {  	_ =	shalt  }
0x67: {  	_ =	shalt  }
0x68: {  	_ =	shalt  }
0x69: {  	_ =	shalt  }
0x6a: {  	_ =	shalt  }
0x6b: {  	_ =	shalt  }
0x6c: {  	_ =	shalt  }
0x6d: {  	_ =	shalt  }
0x6e: {  	_ =	shalt  }
0x6f: {  	_ =	shalt  }
0x70: {  	_ =	shalt  }
0x71: {  	_ =	shalt  }
0x72: {  	_ =	shalt  }
0x73: {  	_ =	shalt  }
0x74: {  	_ =	shalt  }
0x75: {  	_ =	shalt  }
0x76: {  	_ =	shalt  }
0x77: {  	_ =	shalt  }
0x78: {  	_ =	shalt  }
0x79: {  	_ =	shalt  }
0x7a: {  	_ =	shalt  }
0x7b: {  	_ =	shalt  }
0x7c: {  	_ =	shalt  }
0x7d: {  	_ =	shalt  }
0x7e: {  	_ =	shalt  }
0x7f: {  	_ =	shalt  }
0x80: {  	_ =	shalt  }
0x81: {  	_ =	shalt  }
0x82: {  	_ =	shalt  }
0x83: {  	_ =	shalt  }
0x84: {  	_ =	shalt  }
0x85: {  	_ =	shalt  }
0x86: {  	_ =	shalt  }
0x87: {  	_ =	shalt  }
.Lfunc_end0:
.L_simem_size_0:
called_computation.1_lowered:
.L_overlay_start_0:
0x88: {  	s2 =	sld [smem:$0x3FD9]  }
0x89: {  	s3 =	sld [smem:$0x3FFE];
	_ =	sdelay $0x1  }
0x8a: {  	s1 =	srdreg.scid  }
0x8b: {  	s0 =	sand.u32 $0x1, s1  }
0x8c: {  	s16 =	sshll.u32 s0, $0xA;
	s2 =	sadd.s32 s3, s2  }
0x8d: {  	s2 =	sadd.s32 s2, s16  }
0x8e: {  	[smem:$0x3FAD] =	sst s2  }
0x8f: {  	_ = 	snop  }
0x90: {  	(tm) =	ssettm $0x1  }
0x91: {  	s17 =	sld [smem:$0x3FFB];
	_ =	sdelay $0x3  }
0x92: {  	_ =	strace s17  }
0x93: {  	s2 =	sld [smem:$0x3FFC];
	_ =	sdelay $0x3  }
0x94: {  	_ =	strace s2  }
0x95: {  	s2 =	sld [smem:$0x3FFD];
	_ =	sdelay $0x3  }
0x96: {  	_ =	strace s2  }
0x97: {  	_ =	strace $0x8FFFFFFF  }
0x98: {  	s18 =	sld [smem:$0x3FDB];
	_ =	sdelay $0x1  }
0x99: {  	s19 =	simm.s32 $_scs_section_size  }
0x9a: {  	s4 =	simm.s32 $_size__tile_overlayer_lowered;
	s5 =	simm.s32 $_tile_overlayer_lowered  }
0x9b: {  	s22 =	simm.s32 $0x1BFF;
	s21 =	sshll.u32 s5, $0x1;
	s2 =	sadd.s32 s19, s18  }
0x9c: {  	s6 =	simm.s32 $0x0;
	s20 =	sshll.u32 s4, $0x1;
	s4 =	sadd.s32 s21, s2  }
0x9d: {  	[timem:s6], [sflag:s22] =	dma.local [hbm:s4], s20  }
0x9e: {  	_ =	swait.ge [sflag:s22], s20  }
0x9f: {  	s3 =	ssub.s32 $0x0, s20;
	[sflag:s22] =	ssyncset.done $0x0  }
0xa0: {  	[sflag:s22] =	ssyncadd.s32 s3;
	_ =	sdelay $0x1  }
0xa1: {  	s23 =	simm.s32 $0x1B8B  }
0xa2: {  	_ =	swait.ge [sflag:s23], $0x1  }
0xa3: {  	[sflag:s23] =	ssyncset.done $0x0  }
0xa4: {  	s25 =	simm.s32 $0x1B8E;
	s24 =	sld [smem:$0x3FFE];
	[sflag:s23] =	ssyncadd.s32 $0xFFFFFFFF  }
0xa5: {  	s26 =	simm.s32 $execute0_lowered;
	[smem:$0x3FD2] =	sst s25  }
0xa6: {  	s4 =	sshll.u32 s26, $0x1;
	_ =	strace $0x8000004C;
	[dreg:$0x1] =	wrdreg $0xFFFFFFFF  }
0xa7: {  	s28 =	simm.s32 $_size_execute0_lowered;
	s2 =	sadd.s32 s2, s4;
	[dreg:$0x0] =	wrdreg $0x0  }
0xa8: {  	s4 =	sshll.u32 s28, $0x1;
	[dreg:$0x2] =	wrdreg s2  }
0xa9: {  	[dreg:$0x3] =	wrdreg s4  }
0xaa: {  	[dreg:$0x4] =	wrdreg $0xC0  }
0xab: {  	_ =	task [dreg:s6], $0x5FFFF  }
0xac: {  	[dreg:$0x1] =	wrdreg $0xFFFFFFFF  }
0xad: {  	[dreg:$0x0] =	wrdreg $0x60  }
0xae: {  	[dreg:$0x2] =	wrdreg s24  }
0xaf: {  	[dreg:$0x3] =	wrdreg $0x9  }
0xb0: {  	_ =	task.clear_ibuf [dreg:s6], $0x4FFFF;
	_ =	strace $0x9000004C  }
0xb1: {  	s29 =	simm.s32 $0x9;
	_ =	strace $0x8000004E  }
0xb2: {  	_ =	swait.ge [sflag:s29], $0x1  }
0xb3: {  	[sflag:s29] =	ssyncadd.s32 $0xFFFFFFFF  }
0xb4: {  	_ =	strace $0x9000004E  }
0xb5: {  	_ =	sfence  }
0xb6: {  	s30 =	sld [smem:$0x0];
	_ =	sdelay $0x2  }
0xb7: {  	s31 =	sshll.u32 s1, $0xD;
	s1 =	sshrl.u32 s1, $0x2  }
0xb8: {  	s3 =	sand.u32 $0x4000, s31;
	s1 =	sadd.s32 s1, s30  }
0xb9: {  	s0 =	sor.u32 s3, s0;
	s1 =	sshll.u32 s1, $0x11  }
0xba: {  	s0 =	sor.u32 s1, s0  }
0xbb: {  	s0 =	sadd.s32 $0x8F2B, s0  }
0xbc: {  	[sflag:s0] =	ssyncadd.remote.s32 $0x1  }
0xbd: {  	_ =	sfence.sel $0xFFFF  }
0xbe: {  	[dreg:$0x0] =	wrdreg $0xFFFFFFFF;
	(pc) =	sbr.abs _section_cstart, $3  }
0xbf: {  	[dreg:$0x1] =	wrdreg $0xFFFFFFFF  }
0xc0: {  	_ =	task.clear_ibuf [dreg:s6], $0x2FFFF;
	_ =	strace $0x9FFFFFFF  }
0xc1: {  	(tm) =	ssettm $0x7FFFFFFF  }
tec
execute0_lowered:
.L_overlay_start_1:
0x0: {  	(tag) =	ssettag $0x1  }
0x1: {  	s7 =	rddreg [dreg:$0x0]  }
0x2: {  	s0 =	rddreg [dreg:$0x1];
	_ =	strace $0x8000004D  }
0x3: {  	s1 =	srdreg.scid;
	s4 =	simm.s32 $0x1;
	s9 =	simm.s32 $0x3  }
0x4: {  	s12 =	simm.s32 $0x0;
	s10 =	simm.s32 $0x0;
	s5 =	sshll.u32 s1, $0x4  }
.Ltmp0:
0x5: {  	s1 =	stileid.u32;
	s5 =	sand.u32 $0x10, s5;
	(pc) =	sbr.rel .LBB2_1-.Ltmp0, $4  }
0x6: {  	s2 =	sadd.s32 $0x4600, s7;
	s3 =	sadd.s32 $0x4400, s7;
	s6 =	sor.u32 s1, s5  }
0x7: {  	[sflag:s4] =	ssyncpa.u1 $0x0;
	s5 =	simm.s32 $0x2;
	s6 =	sshll.u32 s6, $0x7  }
0x8: {  	s7 =	sadd.s32 $0x24A200, s7;
	[sflag:s5] =	ssyncpa.u1 $0x0;
	s8 =	sadd.s32 $0x80, s6  }
0x9: {  	vm0 =	vmmov $0xff;
	vm1 =	vcmask $0x3F20;
	[sflag:s9] =	ssyncpa.u1 $0x0;
	s9 =	simm.s32 $0x80;
	s11 =	smov.u32 s6  }
.LBB2_9:
0xa: {  	p0 =	seq.s32 s10, $0x2  }
.Ltmp1:
0xb: {  	_ = 	snop;
	(pc) =	sbr.rel @p0 .LBB2_11-.Ltmp1, $1  }
0xc: {  	_ =	sdelay $0x3  }
.LBB2_10:
0xd: {  	s12 =	sadd.s32 $0x80, s11  }
0xe: {  	s13 =	smov.u32 s6;
	p0 =	slt.s32 s12, s8  }
0xf: {  	s13 =	smov.u32 @p0 s12  }
0x10: {  	s10 =	sadd.s32 $0x1, s10;
	s12 =	smov.u32 s11;
	s11 =	smov.u32 s13  }
.LBB2_1:
0x11: {  	p0 =	sne.s32 s10, $0x0  }
.Ltmp2:
0x12: {  	_ = 	snop;
	(pc) =	sbr.rel @!p0 .LBB2_2-.Ltmp2, $1  }
0x13: {  	_ =	sdelay $0x3  }
0x14: {  	s13 =	sand.u32 $0x1, s10  }
0x15: {  	p0 =	seq.s32 s13, $0x0  }
.Ltmp3:
0x16: {  	_ = 	snop;
	(pc) =	sbr.rel @p0 .LBB2_9-.Ltmp3, $1  }
0x17: {  	_ =	sdelay $0x3  }
0x18: {  	_ =	swait.ge [sflag:s5], $0x80  }
0x19: {  	[sflag:s5] =	ssyncset.done $0x0  }
0x1a: {  	s13 =	simm.s32 $0x0;
	[sflag:s5] =	ssyncadd.s32 $0xFFFFFF80  }
0x1b: {  	v0 =	vld.msk [tilespmem:s13+$0x80 ss:$0x1], $0xffff;
	_ =	sdelay $0x4  }
0x1c: {  	vm2 =	vgt.s32 v0, $0x0  }
0x1d: {  	v0 =	vnsel vm2, $0x0, v0  }
0x1e: {  	v0 =	vmin.u32 v0, $0xFFF  }
0x1f: {  	v0 =	vshll.u32 v0, $0x4;
	_ =	sdelay $0x3  }
0x20: {  	s13 =	simm.s32 $0x4100  }
0x21: {  	[tilespmem:s13], [sflag:$0x1] =	stream.indirect_vreg.gather [hbm:s2], $0x80, v0, vm0, $0x38;
	[tilespmem:$0x8100] =	vst v63  }
0x22: {  	s14 =	simm.s32 $0x4500;
	s31 =	simm.s32 $0x10  }
0x23: {  	[tilespmem:s14], [sflag:$0x1] =	stream.indirect_vreg.gather [hbm:s2], $0x80, v0, vm1, $0x38;
	[tilespmem:$0x8100] =	vst v63  }
0x24: {  	s14 =	simm.s32 $0x80;
	v0 =	vld.msk [tilespmem:s31+$0x80 ss:$0x1], $0xffff  }
.LBB2_5:
0x25: {  	p0 =	sne.s32 s14, $0x1C0;
	_ =	sdelay $0x4  }
0x26: {  	vm2 =	vgt.s32 v0, $0x0  }
0x27: {  	v0 =	vnsel vm2, $0x0, v0  }
0x28: {  	v0 =	vmin.u32 v0, $0xFFF  }
0x29: {  	v0 =	vshll.u32 v0, $0x4;
	_ =	sdelay $0x3  }
.Ltmp4:
0x2a: {  	s13 =	sadd.s32 $0x800, s13;
	(pc) =	sbr.rel @p0 .LBB2_5-.Ltmp4, $4  }
0x2b: {  	[tilespmem:s13], [sflag:$0x1] =	stream.indirect_vreg.gather [hbm:s2], $0x80, v0, vm0, $0x38;
	[tilespmem:$0x8100] =	vst v63  }
0x2c: {  	s15 =	sshra.s32 s14, $0x2;
	s16 =	sadd.s32 $0x400, s13  }
0x2d: {  	[tilespmem:s16], [sflag:$0x1] =	stream.indirect_vreg.gather [hbm:s2], $0x80, v0, vm1, $0x38;
	[tilespmem:$0x8100] =	vst v63  }
0x2e: {  	s14 =	sadd.s32 $0x40, s14;
	v0 =	vld.msk [tilespmem:s15+$0x80 ss:$0x1], $0xffff  }
0x2f: {  	_ =	sdelay $0x3  }
0x30: {  	vm2 =	vgt.s32 v0, $0x0  }
0x31: {  	v0 =	vnsel vm2, $0x0, v0  }
0x32: {  	v0 =	vmin.u32 v0, $0xFFF  }
0x33: {  	v0 =	vshll.u32 v0, $0x4;
	_ =	sdelay $0x3  }
0x34: {  	s13 =	sadd.s32 $0x800, s13  }
0x35: {  	[tilespmem:s13], [sflag:$0x1] =	stream.indirect_vreg.gather [hbm:s2], $0x80, v0, vm0, $0x38;
	[tilespmem:$0x8100] =	vst v63  }
0x36: {  	s13 =	sadd.s32 $0x400, s13  }
0x37: {  	[tilespmem:s13], [sflag:$0x1] =	stream.indirect_vreg.gather [hbm:s2], $0x80, v0, vm1, $0x38;
	[tilespmem:$0x8100] =	vst v63  }
0x38: {  	s12 =	sshll.u32 s12, $0x4;
	s14 =	simm.s32 $0x80;
	_ =	swait.ge [sflag:s4], $0x4000  }
0x39: {  	s15 =	simm.s32 $0x4500;
	s12 =	sadd.s32 s12, s7;
	[sflag:s4] =	ssyncset.done $0x0  }
0x3a: {  	s16 =	sadd.s32 $0x0, s12;
	s13 =	simm.s32 $0x4100;
	[sflag:s4] =	ssyncadd.s32 $0xFFFFC000  }
.LBB2_7:
0x3b: {  	[hbm:s16] =	stream.linear.scatter [tilespmem:s13], [sflag:$0x3], $0x400, $0x38;
	[tilespmem:$0x8100] =	vst v63  }
0x3c: {  	s16 =	smov.u32 s14;
	s13 =	smov.u32 s15;
	p0 =	sne.s32 s14, $0x780  }
.Ltmp5:
0x3d: {  	s14 =	sadd.s32 $0x80, s14;
	(pc) =	sbr.rel @p0 .LBB2_7-.Ltmp5, $2  }
0x3e: {  	_ =	sdelay $0x2  }
0x3f: {  	s15 =	sadd.s32 $0x400, s15;
	s16 =	sadd.s32 s16, s12  }
.Ltmp6:
0x40: {  	(pc) =	sbr.rel .LBB2_9-.Ltmp6, $2  }
0x41: {  	_ =	sdelay $0x2  }
0x42: {  	[hbm:s16] =	stream.linear.scatter [tilespmem:s13], [sflag:$0x3], $0x400, $0x38;
	[tilespmem:$0x8100] =	vst v63  }
.LBB2_2:
.Ltmp7:
0x43: {  	(pc) =	sbr.rel .LBB2_10-.Ltmp7, $4  }
0x44: {  	_ = 	snop  }
0x45: {  	s12 =	sshrl.u32 s11, $0x3  }
0x46: {  	s13 =	sand.u32 $0x7, s11;
	s12 =	sadd.s32 s3, s12  }
0x47: {  	[tilespmem:s9], [sflag:$0x2] =	stream.linear.gather [hbm4b:s12+s13], $0x80, $0x38;
	[tilespmem:$0x8100] =	vst v63  }
.LBB2_11:
0x48: {  	s2 =	simm.s32 $0x3  }
0x49: {  	_ =	swait.ge [sflag:s2], $0x4000  }
0x4a: {  	[sflag:s2] =	ssyncset.done $0x0  }
0x4b: {  	[sflag:s2] =	ssyncadd.s32 $0xFFFFC000  }
0x4c: {  	_ =	sfence.sel $0x180000  }
0x4d: {  	s3 =	simm.s32 $0x2;
	[bflag:$0x0] =	sbarrier.arrive $0xFFFF  }
0x4e: {  	[sflag:s3] =	ssyncpa.u1 $0x1  }
0x4f: {  	s31 =	simm.s32 $0x1;
	[sflag:s2] =	ssyncpa.u1 $0x1  }
0x50: {  	[sflag:s31] =	ssyncpa.u1 $0x1  }
0x51: {  	p0 =	sne.s32 s1, $0x0;
	_ =	strace $0x9000004D  }
0x52: {  	s0 =	sadd.s32 @!p0 $0x100000, s0;
	[bflag:$0x2] =	sbarrier.arrive $0xFFFF  }
0x53: {  	[sflag:s0] =	ssyncadd.tile.s32 @!p0 $0x1;
	_ =	shalt  }
.Lfunc_end2:
_tile_overlayer_lowered:
.L_overlay_start_2:
0x54: {  	(tag) =	ssettag $0x2  }
0x55: {  	s0 =	rddreg [dreg:$0x0];
	s2 =	stileid.u32  }
0x56: {  	s1 =	rddreg [dreg:$0x1];
	p0 =	sne.s32 s2, $0x0  }
0x57: {  	s3 =	rddreg [dreg:$0x2];
	[bflag:$0x3] =	sbarrier.arrive $0xFFFF;
	s2 =	simm.s32 @!p0 $0x1C01  }
0x58: {  	[timem:s3], [sflag:s2] =	dma.local @!p0 [hbm:s0], s1  }
0x59: {  	s0 =	simm.s32 @!p0 $0x1  }
0x5a: {  	_ =	swait.ge @!p0 [sflag:s0], s1  }
0x5b: {  	s1 =	ssub.s32 @!p0 $0x0, s1;
	[sflag:s0] =	ssyncset.done @!p0 $0x0  }
0x5c: {  	[sflag:s0] =	ssyncadd.s32 @!p0 s1  }
0x5d: {  	[bflag:$0x3] =	sbarrier.arrive $0xFFFF  }
0x5e: {  	_ =	shalt  }

// kernel: scatter_offload_async_start
scs
__scs_entry_jumppad:
0x0: {  	(pc) =	sbr.rel $0x88, $3  }
0x1: {  	(tag) =	ssettag $0x0;
	lr =	simm.s32 $0x1  }
0x2: {  	[smem:$0x3F86] =	sst lr;
	_ =	strace $0xD0000000  }
0x3: {  	_ = 	snop  }
0x4: {  	_ = 	snop  }
0x5: {  	_ = 	snop  }
0x6: {  	_ = 	snop  }
0x7: {  	_ = 	snop  }
__scs_overlays_trampoline_lowered:
0x8: {  	[smem:$0x3F95] =	sst s0  }
0x9: {  	[smem:$0x3F96] =	sst s1  }
0xa: {  	[smem:$0x3F97] =	sst s2  }
0xb: {  	[smem:$0x3F98] =	sst s3  }
0xc: {  	[smem:$0x3F99] =	sst s4  }
0xd: {  	[smem:$0x3F9A] =	sst s5  }
0xe: {  	[smem:$0x3F9B] =	sst s6  }
0xf: {  	[smem:$0x3F9C] =	sst s7  }
0x10: {  	[smem:$0x3F9D] =	sst s8  }
0x11: {  	[smem:$0x3F9E] =	sst s9;
	s0 =	simm.s32 @!p0 $0x0  }
0x12: {  	s1 =	sld [smem:$0x3F84];
	s0 =	simm.s32 @p0 $0x1  }
0x13: {  	[smem:$0x3F9F] =	sst s0;
	s0 =	simm.s32 @!p1 $0x0  }
0x14: {  	s2 =	sld [smem:$0x3F83];
	s0 =	simm.s32 @p1 $0x1  }
0x15: {  	[smem:$0x3FA0] =	sst s0;
	s0 =	simm.s32 @!p2 $0x0  }
0x16: {  	s3 =	sld [smem:$0x3FDB];
	s0 =	simm.s32 @p2 $0x1  }
0x17: {  	s4 =	simm.s32 $0x1BF5;
	[smem:$0x3FA2] =	sst s0  }
0x18: {  	s0 =	sld [smem:$0x3F85];
	_ =	swait.ge [sflag:s4], $0x0  }
0x19: {  	s7 =	sld [smem:$0x3F86]  }
0x1a: {  	s8 =	sadd.s32 $0xFFFFE003, lr  }
0x1b: {  	s9 =	sadd.s32 $0xFFFFFEF7, lr;
	s5 =	simm.s32 $0xFFFFFFFF;
	p2 =	slt.u32 s8, $0xFFFFF086  }
0x1c: {  	p1 =	slt.u32 s9, $0xF7A;
	s5 =	simm.s32 @!p2 $0x0  }
0x1d: {  	s5 =	simm.s32 @p1 $0x1;
	p0 =	seq.s32 s7, s2  }
0x1e: {  	s7 =	smul.u32 @!p0 $0xF7A, s2;
	p2 =	seq.s32 @!p0 s5, $0x0  }
0x1f: {  	s9 =	smul.u32 $0xF7A, s1;
	s8 =	simm.s32 @!p0 $0x1BF5;
	p2 =	por !p2, p0  }
0x20: {  	[sflag:s8] =	ssyncset.s32 @!p0 $0xFFFFF086;
	s6 =	sadd.s32 @!p0 s3, s7;
	s7 =	simm.s32 @!p0 $0x108  }
0x21: {  	s3 =	sadd.s32 s3, s9;
	s6 =	sadd.s32 @!p0 $0x88, s6;
	s7 =	simm.s32 @p2 $0x1082  }
0x22: {  	[simem:s7], [sflag:s8] =	dma.local @!p0 [hbm:s6], $0xF7A  }
0x23: {  	s9 =	sor.u32 $0xD0000000, s2;
	s6 =	simm.s32 $0x108;
	_ =	swait.ge @!p0 [sflag:s8], $0x0  }
0x24: {  	s3 =	sadd.s32 $0x88, s3;
	s6 =	simm.s32 @!p1 $0x1082;
	[sflag:s4] =	ssyncset.s32 $0xFFFFF086  }
0x25: {  	[simem:s6], [sflag:s4] =	dma.local [hbm:s3], $0xF7A  }
0x26: {  	[smem:$0x3F86] =	sst s1;
	(tag) =	ssettag s2;
	_ =	strace s9  }
0x27: {  	s1 =	sld [smem:$0x3F96]  }
0x28: {  	s2 =	sld [smem:$0x3F97]  }
0x29: {  	s4 =	sld [smem:$0x3F99]  }
0x2a: {  	p0 =	seq.s32 s5, $0x0;
	s5 =	sld [smem:$0x3F9A]  }
0x2b: {  	s6 =	sld [smem:$0x3F9B]  }
0x2c: {  	s7 =	sld [smem:$0x3F9C]  }
0x2d: {  	s3 =	simm.s32 $0x108;
	s8 =	sld [smem:$0x3F9D]  }
0x2e: {  	s3 =	simm.s32 @!p0 $0x1082;
	s9 =	sld [smem:$0x3F9E]  }
0x2f: {  	lr =	sadd.s32 s0, s3;
	s0 =	sld [smem:$0x3F95]  }
0x30: {  	s3 =	sld [smem:$0x3F98]  }
0x31: {  	[smem:$0x3FA1] =	sst s10  }
0x32: {  	s10 =	sld [smem:$0x3F9F];
	_ =	sdelay $0x3  }
0x33: {  	p0 =	seq.s32 s10, $0x1;
	s10 =	sld [smem:$0x3FA1];
	_ =	sdelay $0x3  }
0x34: {  	[smem:$0x3FA1] =	sst s10  }
0x35: {  	s10 =	sld [smem:$0x3FA0];
	_ =	sdelay $0x3  }
0x36: {  	p1 =	seq.s32 s10, $0x1;
	s10 =	sld [smem:$0x3FA1];
	_ =	sdelay $0x3  }
0x37: {  	[smem:$0x3FA1] =	sst s10  }
0x38: {  	s10 =	sld [smem:$0x3FA2]  }
0x39: {  	_ = 	snop;
	(pc) =	sbr.ind lr, $3  }
0x3a: {  	_ = 	snop  }
0x3b: {  	_ = 	snop  }
0x3c: {  	p2 =	seq.s32 s10, $0x1;
	s10 =	sld [smem:$0x3FA1]  }
0x3d: {  	_ =	shalt  }
0x3e: {  	_ =	shalt  }
0x3f: {  	_ =	shalt  }
0x40: {  	_ =	shalt  }
0x41: {  	_ =	shalt  }
0x42: {  	_ =	shalt  }
0x43: {  	_ =	shalt  }
0x44: {  	_ =	shalt  }
0x45: {  	_ =	shalt  }
0x46: {  	_ =	shalt  }
0x47: {  	_ =	shalt  }
0x48: {  	_ =	shalt  }
0x49: {  	_ =	shalt  }
0x4a: {  	_ =	shalt  }
0x4b: {  	_ =	shalt  }
0x4c: {  	_ =	shalt  }
0x4d: {  	_ =	shalt  }
0x4e: {  	_ =	shalt  }
0x4f: {  	_ =	shalt  }
0x50: {  	_ =	shalt  }
0x51: {  	_ =	shalt  }
0x52: {  	_ =	shalt  }
0x53: {  	_ =	shalt  }
0x54: {  	_ =	shalt  }
0x55: {  	_ =	shalt  }
0x56: {  	_ =	shalt  }
0x57: {  	_ =	shalt  }
0x58: {  	_ =	shalt  }
0x59: {  	_ =	shalt  }
0x5a: {  	_ =	shalt  }
0x5b: {  	_ =	shalt  }
0x5c: {  	_ =	shalt  }
0x5d: {  	_ =	shalt  }
0x5e: {  	_ =	shalt  }
0x5f: {  	_ =	shalt  }
0x60: {  	_ =	shalt  }
0x61: {  	_ =	shalt  }
0x62: {  	_ =	shalt  }
0x63: {  	_ =	shalt  }
0x64: {  	_ =	shalt  }
0x65: {  	_ =	shalt  }
0x66: {  	_ =	shalt  }
0x67: {  	_ =	shalt  }
0x68: {  	_ =	shalt  }
0x69: {  	_ =	shalt  }
0x6a: {  	_ =	shalt  }
0x6b: {  	_ =	shalt  }
0x6c: {  	_ =	shalt  }
0x6d: {  	_ =	shalt  }
0x6e: {  	_ =	shalt  }
0x6f: {  	_ =	shalt  }
0x70: {  	_ =	shalt  }
0x71: {  	_ =	shalt  }
0x72: {  	_ =	shalt  }
0x73: {  	_ =	shalt  }
0x74: {  	_ =	shalt  }
0x75: {  	_ =	shalt  }
0x76: {  	_ =	shalt  }
0x77: {  	_ =	shalt  }
0x78: {  	_ =	shalt  }
0x79: {  	_ =	shalt  }
0x7a: {  	_ =	shalt  }
0x7b: {  	_ =	shalt  }
0x7c: {  	_ =	shalt  }
0x7d: {  	_ =	shalt  }
0x7e: {  	_ =	shalt  }
0x7f: {  	_ =	shalt  }
0x80: {  	_ =	shalt  }
0x81: {  	_ =	shalt  }
0x82: {  	_ =	shalt  }
0x83: {  	_ =	shalt  }
0x84: {  	_ =	shalt  }
0x85: {  	_ =	shalt  }
0x86: {  	_ =	shalt  }
0x87: {  	_ =	shalt  }
.Lfunc_end0:
.L_simem_size_0:
called_computation_lowered:
.L_overlay_start_0:
0x88: {  	s0 =	sld [smem:$0x3FD9]  }
0x89: {  	s1 =	sld [smem:$0x3FFE];
	_ =	sdelay $0x3  }
0x8a: {  	s0 =	sadd.s32 s1, s0  }
0x8b: {  	[smem:$0x3FAD] =	sst s0  }
0x8c: {  	_ = 	snop  }
0x8d: {  	s0 =	sld [smem:$0x3FD0];
	(tm) =	ssettm $0x1  }
0x8e: {  	s16 =	sld [smem:$0x3FFB];
	_ =	sdelay $0x3  }
0x8f: {  	_ =	strace s16  }
0x90: {  	s1 =	sld [smem:$0x3FFC];
	_ =	sdelay $0x3  }
0x91: {  	_ =	strace s1  }
0x92: {  	s1 =	sld [smem:$0x3FFD];
	_ =	sdelay $0x3  }
0x93: {  	_ =	strace s1  }
0x94: {  	_ =	strace $0x8FFFFFFF  }
0x95: {  	s17 =	sld [smem:$0x3FDB];
	_ =	sdelay $0x1  }
0x96: {  	s2 =	simm.s32 $_scs_section_size  }
0x97: {  	s3 =	simm.s32 $_size__tile_overlayer_lowered;
	s4 =	simm.s32 $_tile_overlayer_lowered  }
0x98: {  	s20 =	simm.s32 $0x1BFF;
	s19 =	sshll.u32 s4, $0x1;
	s1 =	sadd.s32 s2, s17  }
0x99: {  	s5 =	simm.s32 $0x0;
	s18 =	sshll.u32 s3, $0x1;
	s3 =	sadd.s32 s19, s1  }
0x9a: {  	[timem:s5], [sflag:s20] =	dma.local [hbm:s3], s18  }
0x9b: {  	_ =	swait.ge [sflag:s20], s18  }
0x9c: {  	s2 =	ssub.s32 $0x0, s18;
	[sflag:s20] =	ssyncset.done $0x0  }
0x9d: {  	[sflag:s20] =	ssyncadd.s32 s2;
	_ =	sdelay $0x1  }
0x9e: {  	s21 =	simm.s32 $0x1B8B  }
0x9f: {  	_ =	swait.ge [sflag:s21], $0x1  }
0xa0: {  	[sflag:s21] =	ssyncset.done $0x0  }
0xa1: {  	s23 =	simm.s32 $0x1B8E;
	s22 =	sld [smem:$0x3FFE];
	[sflag:s21] =	ssyncadd.s32 $0xFFFFFFFF  }
0xa2: {  	s24 =	simm.s32 $execute0_lowered;
	[smem:$0x3FD2] =	sst s23  }
0xa3: {  	s3 =	sshll.u32 s24, $0x1;
	_ =	strace $0x80000046;
	[dreg:$0x1] =	wrdreg $0xFFFFFFFF  }
0xa4: {  	s25 =	simm.s32 $_size_execute0_lowered;
	s1 =	sadd.s32 s1, s3;
	[dreg:$0x0] =	wrdreg $0x0  }
0xa5: {  	s3 =	sshll.u32 s25, $0x1;
	[dreg:$0x2] =	wrdreg s1  }
0xa6: {  	[dreg:$0x3] =	wrdreg s3  }
0xa7: {  	[dreg:$0x4] =	wrdreg $0xC0  }
0xa8: {  	_ =	task [dreg:s5], $0x5FFFF  }
0xa9: {  	[dreg:$0x1] =	wrdreg $0xFFFFFFFF  }
0xaa: {  	[dreg:$0x0] =	wrdreg $0x60  }
0xab: {  	[dreg:$0x2] =	wrdreg s22  }
0xac: {  	[dreg:$0x3] =	wrdreg s0  }
0xad: {  	[dreg:$0x4] =	wrdreg $0x9  }
0xae: {  	_ =	task.clear_ibuf [dreg:s5], $0x5FFFF;
	_ =	strace $0x90000046  }
0xaf: {  	s26 =	simm.s32 $0x9;
	_ =	strace $0x80000048  }
0xb0: {  	_ =	swait.ge [sflag:s26], $0x1  }
0xb1: {  	[sflag:s26] =	ssyncadd.s32 $0xFFFFFFFF  }
0xb2: {  	_ =	strace $0x90000048  }
0xb3: {  	_ =	sfence  }
0xb4: {  	s28 =	sld [smem:$0x0];
	_ =	sdelay $0x1  }
0xb5: {  	s29 =	srdreg.scid  }
0xb6: {  	s30 =	sshll.u32 s29, $0xD;
	s31 =	sshrl.u32 s29, $0x2  }
0xb7: {  	s2 =	sand.u32 $0x4000, s30;
	s1 =	sand.u32 $0x1, s29;
	s0 =	sadd.s32 s31, s28  }
0xb8: {  	s1 =	sor.u32 s2, s1;
	s0 =	sshll.u32 s0, $0x11  }
0xb9: {  	s0 =	sor.u32 s0, s1  }
0xba: {  	s0 =	sadd.s32 $0x8F2B, s0  }
0xbb: {  	[sflag:s0] =	ssyncadd.remote.s32 $0x1  }
0xbc: {  	_ =	sfence.sel $0xFFFF  }
0xbd: {  	[dreg:$0x0] =	wrdreg $0xFFFFFFFF;
	(pc) =	sbr.abs _section_cstart, $3  }
0xbe: {  	[dreg:$0x1] =	wrdreg $0xFFFFFFFF  }
0xbf: {  	_ =	task.clear_ibuf [dreg:s5], $0x2FFFF;
	_ =	strace $0x9FFFFFFF  }
0xc0: {  	(tm) =	ssettm $0x7FFFFFFF  }
0xc1: {  	_ =	shalt  }
tec
execute0_lowered:
.L_overlay_start_1:
0x0: {  	(tag) =	ssettag $0x1  }
0x1: {  	s5 =	rddreg [dreg:$0x0]  }
0x2: {  	s6 =	rddreg [dreg:$0x1]  }
0x3: {  	s0 =	rddreg [dreg:$0x2];
	_ =	strace $0x80000047;
	s7 =	stileid.u32  }
0x4: {  	s3 =	simm.s32 $0x3E;
	s1 =	sadd.s32 $0x24A200, s5;
	p0 =	sne.s32 s7, $0x0  }
0x5: {  	[sflag:s3] =	ssyncpa.u1 $0x0;
	s4 =	simm.s32 @!p0 $0x1C3E;
	s2 =	simm.s32 @!p0 $0x0  }
0x6: {  	[spmem:s2], [sflag:s4] =	dma.local @!p0 [hbm:s1], $0x10  }
0x7: {  	s4 =	simm.s32 @!p0 $0x3E  }
0x8: {  	_ =	swait.ge @!p0 [sflag:s4], $0x10  }
0x9: {  	[sflag:s4] =	ssyncset.done @!p0 $0x0  }
0xa: {  	[sflag:s4] =	ssyncadd.s32 @!p0 $0xFFFFFFF0  }
0xb: {  	s9 =	simm.s32 $0x108;
	s8 =	sadd.s32 $0x24A000, s5;
	[bflag:$0x0] =	sbarrier.arrive $0xFFFF  }
0xc: {  	s7 =	sshll.u32 s7, $0x5;
	[sflag:s3] =	ssyncpa.u1 $0x1;
	s3 =	simm.s32 $0x1  }
0xd: {  	s5 =	simm.s32 $0x0;
	s4 =	simm.s32 $0x2;
	[sflag:s3] =	ssyncpa.u1 $0x0  }
0xe: {  	s6 =	sadd.s32 s6, s7;
	(ifvalue) =	ssetifvalue $0x80;
	[sflag:s4] =	ssyncpa.u1 $0x0  }
0xf: {  	[tilespmem:s9], [sflag:$0x2] =	stream.linear.gather [hbm4b:s6+s5], $0x100, $0x38;
	[tilespmem:$0x408] =	vst v63  }
0x10: {  	s23 =	simm.s32 $0x308;
	s22 =	sadd.s32 s8, s7  }
0x11: {  	[tilespmem:s23], [sflag:$0x2] =	stream.linear.gather [hbm4b:s22+s5], $0x100, $0x38;
	[tilespmem:$0x408] =	vst v63  }
0x12: {  	_ =	swait.ge [sflag:s4], $0x200  }
0x13: {  	[sflag:s4] =	ssyncset.done $0x0  }
0x14: {  	[sflag:s4] =	ssyncadd.s32 $0xFFFFFE00  }
0x15: {  	v0 =	vld.msk [tilespmem:s9+$0x0 ss:$0x1], $0xffff;
	_ =	sdelay $0x4  }
0x16: {  	v0 =	vmin.u32 v0, $0x80;
	_ =	sdelay $0x3  }
0x17: {  	vm0 =	vmmov $0xffff;
	s24 =	simm.s32 $0x118  }
0x18: {  	[spmem:s5] =	stream.indirect_vreg.scatter.add.s32 [tilespmem:s23], [sflag:$0x1], $0x1, v0, vm0, $0x4038;
	[tilespmem:$0x408] =	vst v63  }
0x19: {  	v0 =	vld.msk [tilespmem:s24+$0x0 ss:$0x1], $0xffff;
	_ =	sdelay $0x4  }
0x1a: {  	v0 =	vmin.u32 v0, $0x80;
	_ =	sdelay $0x3  }
0x1b: {  	s25 =	simm.s32 $0x318;
	s26 =	simm.s32 $0x128  }
0x1c: {  	[spmem:s5] =	stream.indirect_vreg.scatter.add.s32 [tilespmem:s25], [sflag:$0x1], $0x1, v0, vm0, $0x4038;
	[tilespmem:$0x408] =	vst v63  }
0x1d: {  	v0 =	vld.msk [tilespmem:s26+$0x0 ss:$0x1], $0xffff;
	_ =	sdelay $0x4  }
0x1e: {  	v0 =	vmin.u32 v0, $0x80;
	_ =	sdelay $0x3  }
0x1f: {  	s28 =	simm.s32 $0x328;
	s29 =	simm.s32 $0x138  }
0x20: {  	[spmem:s5] =	stream.indirect_vreg.scatter.add.s32 [tilespmem:s28], [sflag:$0x1], $0x1, v0, vm0, $0x4038;
	[tilespmem:$0x408] =	vst v63  }
0x21: {  	v0 =	vld.msk [tilespmem:s29+$0x0 ss:$0x1], $0xffff;
	_ =	sdelay $0x4  }
0x22: {  	v0 =	vmin.u32 v0, $0x80;
	_ =	sdelay $0x3  }
0x23: {  	s30 =	simm.s32 $0x338;
	s31 =	simm.s32 $0x148  }
0x24: {  	[spmem:s5] =	stream.indirect_vreg.scatter.add.s32 [tilespmem:s30], [sflag:$0x1], $0x1, v0, vm0, $0x4038;
	[tilespmem:$0x408] =	vst v63  }
0x25: {  	v0 =	vld.msk [tilespmem:s31+$0x0 ss:$0x1], $0xffff;
	_ =	sdelay $0x4  }
0x26: {  	v0 =	vmin.u32 v0, $0x80;
	_ =	sdelay $0x3  }
0x27: {  	s7 =	simm.s32 $0x348;
	s8 =	simm.s32 $0x158  }
0x28: {  	[spmem:s5] =	stream.indirect_vreg.scatter.add.s32 [tilespmem:s7], [sflag:$0x1], $0x1, v0, vm0, $0x4038;
	[tilespmem:$0x408] =	vst v63  }
0x29: {  	v0 =	vld.msk [tilespmem:s8+$0x0 ss:$0x1], $0xffff;
	_ =	sdelay $0x4  }
0x2a: {  	v0 =	vmin.u32 v0, $0x80;
	_ =	sdelay $0x3  }
0x2b: {  	s10 =	simm.s32 $0x168;
	s9 =	simm.s32 $0x358  }
0x2c: {  	[spmem:s5] =	stream.indirect_vreg.scatter.add.s32 [tilespmem:s9], [sflag:$0x1], $0x1, v0, vm0, $0x4038;
	[tilespmem:$0x408] =	vst v63  }
0x2d: {  	v0 =	vld.msk [tilespmem:s10+$0x0 ss:$0x1], $0xffff;
	_ =	sdelay $0x4  }
0x2e: {  	v0 =	vmin.u32 v0, $0x80;
	_ =	sdelay $0x3  }
0x2f: {  	s11 =	simm.s32 $0x368;
	s12 =	simm.s32 $0x178  }
0x30: {  	[spmem:s5] =	stream.indirect_vreg.scatter.add.s32 [tilespmem:s11], [sflag:$0x1], $0x1, v0, vm0, $0x4038;
	[tilespmem:$0x408] =	vst v63  }
0x31: {  	v0 =	vld.msk [tilespmem:s12+$0x0 ss:$0x1], $0xffff;
	_ =	sdelay $0x4  }
0x32: {  	v0 =	vmin.u32 v0, $0x80;
	_ =	sdelay $0x3  }
0x33: {  	s13 =	simm.s32 $0x378;
	s14 =	simm.s32 $0x188  }
0x34: {  	[spmem:s5] =	stream.indirect_vreg.scatter.add.s32 [tilespmem:s13], [sflag:$0x1], $0x1, v0, vm0, $0x4038;
	[tilespmem:$0x408] =	vst v63  }
0x35: {  	v0 =	vld.msk [tilespmem:s14+$0x0 ss:$0x1], $0xffff;
	_ =	sdelay $0x4  }
0x36: {  	v0 =	vmin.u32 v0, $0x80;
	_ =	sdelay $0x3  }
0x37: {  	s15 =	simm.s32 $0x388;
	s16 =	simm.s32 $0x198  }
0x38: {  	[spmem:s5] =	stream.indirect_vreg.scatter.add.s32 [tilespmem:s15], [sflag:$0x1], $0x1, v0, vm0, $0x4038;
	[tilespmem:$0x408] =	vst v63  }
0x39: {  	v0 =	vld.msk [tilespmem:s16+$0x0 ss:$0x1], $0xffff;
	_ =	sdelay $0x4  }
0x3a: {  	v0 =	vmin.u32 v0, $0x80;
	_ =	sdelay $0x3  }
0x3b: {  	s17 =	simm.s32 $0x398;
	s18 =	simm.s32 $0x1A8  }
0x3c: {  	[spmem:s5] =	stream.indirect_vreg.scatter.add.s32 [tilespmem:s17], [sflag:$0x1], $0x1, v0, vm0, $0x4038;
	[tilespmem:$0x408] =	vst v63  }
0x3d: {  	v0 =	vld.msk [tilespmem:s18+$0x0 ss:$0x1], $0xffff;
	_ =	sdelay $0x4  }
0x3e: {  	v0 =	vmin.u32 v0, $0x80;
	_ =	sdelay $0x3  }
0x3f: {  	s19 =	simm.s32 $0x3A8;
	s20 =	simm.s32 $0x1B8  }
0x40: {  	[spmem:s5] =	stream.indirect_vreg.scatter.add.s32 [tilespmem:s19], [sflag:$0x1], $0x1, v0, vm0, $0x4038;
	[tilespmem:$0x408] =	vst v63  }
0x41: {  	v0 =	vld.msk [tilespmem:s20+$0x0 ss:$0x1], $0xffff;
	_ =	sdelay $0x4  }
0x42: {  	v0 =	vmin.u32 v0, $0x80;
	_ =	sdelay $0x3  }
0x43: {  	s21 =	simm.s32 $0x3B8;
	s22 =	simm.s32 $0x1C8  }
0x44: {  	[spmem:s5] =	stream.indirect_vreg.scatter.add.s32 [tilespmem:s21], [sflag:$0x1], $0x1, v0, vm0, $0x4038;
	[tilespmem:$0x408] =	vst v63  }
0x45: {  	v0 =	vld.msk [tilespmem:s22+$0x0 ss:$0x1], $0xffff;
	_ =	sdelay $0x4  }
0x46: {  	v0 =	vmin.u32 v0, $0x80;
	_ =	sdelay $0x3  }
0x47: {  	s23 =	simm.s32 $0x3C8;
	s24 =	simm.s32 $0x1D8  }
0x48: {  	[spmem:s5] =	stream.indirect_vreg.scatter.add.s32 [tilespmem:s23], [sflag:$0x1], $0x1, v0, vm0, $0x4038;
	[tilespmem:$0x408] =	vst v63  }
0x49: {  	v0 =	vld.msk [tilespmem:s24+$0x0 ss:$0x1], $0xffff;
	_ =	sdelay $0x4  }
0x4a: {  	v0 =	vmin.u32 v0, $0x80;
	_ =	sdelay $0x3  }
0x4b: {  	s25 =	simm.s32 $0x3D8;
	s26 =	simm.s32 $0x1E8  }
0x4c: {  	[spmem:s5] =	stream.indirect_vreg.scatter.add.s32 [tilespmem:s25], [sflag:$0x1], $0x1, v0, vm0, $0x4038;
	[tilespmem:$0x408] =	vst v63  }
0x4d: {  	v0 =	vld.msk [tilespmem:s26+$0x0 ss:$0x1], $0xffff;
	_ =	sdelay $0x4  }
0x4e: {  	v0 =	vmin.u32 v0, $0x80;
	_ =	sdelay $0x3  }
0x4f: {  	s28 =	simm.s32 $0x3E8;
	s29 =	simm.s32 $0x1F8  }
0x50: {  	[spmem:s5] =	stream.indirect_vreg.scatter.add.s32 [tilespmem:s28], [sflag:$0x1], $0x1, v0, vm0, $0x4038;
	[tilespmem:$0x408] =	vst v63  }
0x51: {  	v0 =	vld.msk [tilespmem:s29+$0x0 ss:$0x1], $0xffff;
	_ =	sdelay $0x4  }
0x52: {  	v0 =	vmin.u32 v0, $0x80;
	_ =	sdelay $0x3  }
0x53: {  	s30 =	simm.s32 $0x3F8  }
0x54: {  	[spmem:s5] =	stream.indirect_vreg.scatter.add.s32 [tilespmem:s30], [sflag:$0x1], $0x1, v0, vm0, $0x4038;
	[tilespmem:$0x408] =	vst v63  }
0x55: {  	_ =	swait.ge [sflag:s3], $0x100  }
0x56: {  	[sflag:s3] =	ssyncset.done $0x0  }
0x57: {  	[sflag:s3] =	ssyncadd.s32 $0xFFFFFF00  }
0x58: {  	_ =	sfence.sel $0x180000  }
0x59: {  	[bflag:$0x0] =	sbarrier.arrive $0xFFFF  }
0x5a: {  	[sflag:s4] =	ssyncpa.u1 $0x1  }
0x5b: {  	[sflag:s3] =	ssyncpa.u1 $0x1  }
0x5c: {  	_ =	sfence.stream.spmem  }
0x5d: {  	s31 =	simm.s32 $0x3D;
	[bflag:$0x0] =	sbarrier.arrive $0xFFFF  }
0x5e: {  	s3 =	simm.s32 @p0 $0x3D;
	[sflag:s31] =	ssyncpa.u1 $0x0  }
0x5f: {  	[sflag:s3] =	ssyncpa.u1 @p0 $0x1  }
0x60: {  	[bflag:$0x0] =	sbarrier.arrive @p0 $0xFFFF  }
0x61: {  	_ =	strace @p0 $0x90000047  }
0x62: {  	s3 =	simm.s32 @!p0 $0x1C3D;
	[bflag:$0x2] =	sbarrier.arrive @p0 $0xFFFF  }
0x63: {  	[hbm:s1], [sflag:s3] =	dma.local @!p0 [spmem:s2], $0x10  }
0x64: {  	s1 =	simm.s32 @!p0 $0x3D  }
0x65: {  	_ =	swait.ge @!p0 [sflag:s1], $0x10  }
0x66: {  	[sflag:s1] =	ssyncset.done @!p0 $0x0  }
0x67: {  	[sflag:s1] =	ssyncadd.s32 @!p0 $0xFFFFFFF0  }
0x68: {  	[sflag:s1] =	ssyncpa.u1 @!p0 $0x1  }
0x69: {  	[bflag:$0x0] =	sbarrier.arrive @!p0 $0xFFFF  }
0x6a: {  	_ =	strace @!p0 $0x90000047  }
0x6b: {  	s0 =	sadd.s32 @!p0 $0x100000, s0;
	[bflag:$0x2] =	sbarrier.arrive @!p0 $0xFFFF  }
0x6c: {  	[sflag:s0] =	ssyncadd.tile.s32 @!p0 $0x1;
	_ =	shalt  }
.Lfunc_end2:
_tile_overlayer_lowered:
.L_overlay_start_2:
0x6d: {  	(tag) =	ssettag $0x2  }
0x6e: {  	s0 =	rddreg [dreg:$0x0];
	s2 =	stileid.u32  }
0x6f: {  	s1 =	rddreg [dreg:$0x1];
	p0 =	sne.s32 s2, $0x0  }
0x70: {  	s3 =	rddreg [dreg:$0x2];
	[bflag:$0x3] =	sbarrier.arrive $0xFFFF;
	s2 =	simm.s32 @!p0 $0x1C01  }
0x71: {  	[timem:s3], [sflag:s2] =	dma.local @!p0 [hbm:s0], s1  }
0x72: {  	s0 =	simm.s32 @!p0 $0x1  }
0x73: {  	_ =	swait.ge @!p0 [sflag:s0], s1  }
0x74: {  	s1 =	ssub.s32 @!p0 $0x0, s1;
	[sflag:s0] =	ssyncset.done @!p0 $0x0  }
0x75: {  	[sflag:s0] =	ssyncadd.s32 @!p0 s1  }
0x76: {  	[bflag:$0x3] =	sbarrier.arrive $0xFFFF  }
0x77: {  	_ =	shalt  }

</sc_bundles>
